<compile_context>
chip_gen: v7x
topology: tpu7x:2x2x1
jax: 0.10.2.dev20260603
libtpu: 0.0.44.dev20260713+nightly
codegen_flags: <defaults>
</compile_context>

<pallas_src>
import jax
import jax.numpy as jnp
from jax import lax
from jax.experimental import pallas as pl
from jax.experimental.pallas import tpu as pltpu
from jax.experimental.pallas import tpu_sc as plsc

_DEPTH = 1000
_BATCH = 16384
_NC, _NS, _L = 2, 16, 16
_NW = _NC * _NS
_RMAX = 32
_RMIN = 24
_CC = 1024
_NCHUNK = _BATCH // _CC
_VECS = _CC // _L


_NBUF = 2


def _onehot_body(x_hbm, out_hbm, xv, buf0, buf1, sem0, sem1, sem_x):
    wid = lax.axis_index("s") * _NC + lax.axis_index("c")
    big = wid < 29
    r0 = jnp.where(big, _RMAX * wid, 29 * _RMAX + _RMIN * (wid - 29))
    nr = jnp.where(big, _RMAX, _RMIN)

    x_copy = pltpu.make_async_copy(x_hbm, xv, sem_x)
    x_copy.start()

    def _zero(i, carry):
        z = jnp.zeros((_L,), jnp.float32)
        r = i // (_CC // _L)
        off = (i % (_CC // _L)) * _L
        buf0[r, pl.ds(off, _L)] = z
        buf1[r, pl.ds(off, _L)] = z
        return carry

    lax.fori_loop(0, _RMAX * (_CC // _L), _zero, 0)
    x_copy.wait()

    iota = lax.iota(jnp.int32, _L)
    onesv = jnp.full((_L,), 1.0, jnp.float32)
    zerov = jnp.zeros((_L,), jnp.float32)

    bufs = (buf0, buf1)
    sems = (sem0, sem1)

    def scan_scatter(buf, c, vals):
        def body(k, carry):
            v = xv[pl.ds(c * _CC + k * _L, _L)]
            rel = v - r0
            m = (rel >= 0) & (rel < nr)
            plsc.store_scatter(buf, [rel, k * _L + iota], vals, mask=m)
            return carry

        lax.fori_loop(0, _VECS, body, 0)

    def descriptors(b, c):
        buf = bufs[b]
        d_big = pltpu.make_async_copy(
            buf, out_hbm.at[pl.ds(r0, _RMAX), pl.ds(c * _CC, _CC)], sems[b])
        d_small = pltpu.make_async_copy(
            buf.at[pl.ds(0, _RMIN)],
            out_hbm.at[pl.ds(r0, _RMIN), pl.ds(c * _CC, _CC)], sems[b])
        return d_big, d_small

    def start(b, c):
        d_big, d_small = descriptors(b, c)
        pl.when(big)(d_big.start)
        pl.when(jnp.logical_not(big))(d_small.start)

    def drain(b, c):
        d_big, d_small = descriptors(b, c)
        pl.when(big)(d_big.wait)
        pl.when(jnp.logical_not(big))(d_small.wait)

    for c in range(_NBUF):
        scan_scatter(bufs[c], c, onesv)
        start(c, c)

    def group(g, carry):
        for j in range(_NBUF):
            c = _NBUF * g + j
            drain(j, c - _NBUF)
            scan_scatter(bufs[j], c - _NBUF, zerov)
            scan_scatter(bufs[j], c, onesv)
            start(j, c)
        return carry

    lax.fori_loop(1, _NCHUNK // _NBUF, group, 0)

    for c in range(_NCHUNK - _NBUF, _NCHUNK):
        drain(c % _NBUF, c)


def kernel(X_in, ones):
    del ones
    x = X_in.astype(jnp.int32)
    mesh = plsc.VectorSubcoreMesh(core_axis_name="c", subcore_axis_name="s")
    out_t = pl.kernel(
        _onehot_body,
        out_type=jax.ShapeDtypeStruct((_DEPTH, _BATCH), jnp.float32),
        mesh=mesh,
        compiler_params=pltpu.CompilerParams(needs_layout_passes=False),
        scratch_types=[
            pltpu.VMEM((_BATCH,), jnp.int32),
            pltpu.VMEM((_RMAX, _CC), jnp.float32),
            pltpu.VMEM((_RMAX, _CC), jnp.float32),
            pltpu.SemaphoreType.DMA,
            pltpu.SemaphoreType.DMA,
            pltpu.SemaphoreType.DMA,
        ],
    )(x)
    return out_t.T

# --- scband reference (transcript-rebuilt; emitter-appended) ---
"""Pipeline reference for scband-one-hot-78932908966565 (READ-ONLY COPY).

The authoritative reference and input builder live on the scoring server;
editing this copy changes nothing except your own understanding.
"""

import jax, jax.numpy as jnp
import numpy as np

DEPTH = 1000
BATCH = 16384

def setup_inputs(seed: int = 0) -> dict:
    key = jax.random.key(seed)
    k1, _ = jax.random.split(key)
    X_in = jax.random.randint(k1, (BATCH,), 0, DEPTH, dtype=jnp.int64 if jax.config.jax_enable_x64 else jnp.int32)
    ones = jnp.eye(DEPTH, dtype=jnp.float32)  # the module's eye buffer
    return {"X_in": X_in, "ones": ones}

def reference(X_in, ones):
    # Faithful translation of: self.ones.index_select(0, X_in.long())
    idx = X_in.astype(jnp.int32)
    return jnp.take(ones, idx, axis=0)

if __name__ == "__main__":
    import jax
    _d = setup_inputs()
    print(jax.jit(kernel)(*tuple(_d.values())))

</pallas_src>

<mosaic_0001>
#map = affine_map<(d0, d1) -> (0)>
#map1 = affine_map<(d0, d1) -> (0, 0)>
module attributes {stable_mosaic.version = 14 : i64} {
  func.func @_onehot_body(%arg0: i32, %arg1: i32, %arg2: memref<16384xi32, #tpu.memory_space<hbm>>, %arg3: memref<1000x16384xf32, #tpu.memory_space<hbm>>, %arg4: memref<16384xi32, #tpu.memory_space<vmem>>, %arg5: memref<32x1024xf32, #tpu.memory_space<vmem>>, %arg6: memref<32x1024xf32, #tpu.memory_space<vmem>>, %arg7: memref<!tpu.dma_semaphore, #tpu.memory_space<semaphore_mem>>, %arg8: memref<!tpu.dma_semaphore, #tpu.memory_space<semaphore_mem>>, %arg9: memref<!tpu.dma_semaphore, #tpu.memory_space<semaphore_mem>>) attributes {dimension_semantics = [#tpu.dimension_semantics<core_parallel>, #tpu.dimension_semantics<subcore_parallel>], iteration_bounds = array<i64: 2, 16>, scalar_prefetch = 0 : i64, scratch_operands = 6 : i64, tpu.core_type = #tpu.core_type<sc_vector_subcore>, window_params = [{transform_indices = #map}, {transform_indices = #map1}]} {
    %mul3A = arith.constant 2 : i32
    %mul3A_0 = arith.muli %arg1, %mul3A : i32
    %add3A = arith.addi %mul3A_0, %arg0 : i32
    %lt3A = arith.constant 29 : i32
    %lt3A_1 = arith.cmpi slt, %add3A, %lt3A : i32
    %mul3A_2 = arith.constant 32 : i32
    %mul3A_3 = arith.muli %mul3A_2, %add3A : i32
    %sub3A = arith.constant 29 : i32
    %sub3A_4 = arith.subi %add3A, %sub3A : i32
    %mul3A_5 = arith.constant 24 : i32
    %mul3A_6 = arith.muli %mul3A_5, %sub3A_4 : i32
    %add3A_7 = arith.constant 928 : i32
    %add3A_8 = arith.addi %add3A_7, %mul3A_6 : i32
    %select_n3A = arith.select %lt3A_1, %mul3A_3, %add3A_8 : i32
    %jit3A = arith.constant 32 : i32
    %jit3A_9 = arith.constant 24 : i32
    %select_n3A_10 = arith.select %lt3A_1, %jit3A, %jit3A_9 : i32
    tpu.enqueue_dma source(%arg2 : memref<16384xi32, #tpu.memory_space<hbm>>) target(%arg4 : memref<16384xi32, #tpu.memory_space<vmem>>) target_semaphore(%arg9 : memref<!tpu.dma_semaphore, #tpu.memory_space<semaphore_mem>>)
    %scan3A = arith.constant 0 : i32
    %scan3A_11 = arith.constant 0 : i32
    %scan3A_12 = arith.constant 2048 : i32
    %scan3A_13 = arith.addi %scan3A_11, %scan3A_12 : i32
    %scan3A_14 = arith.constant 1 : i32
    scf.for %scan3A_66 = %scan3A_11 to %scan3A_13 step %scan3A_14  : i32 {
      %broadcast_in_dim3A_67 = arith.constant 0.000000e+00 : f32
      %broadcast_in_dim3A_68 = vector.broadcast %broadcast_in_dim3A_67 : f32 to vector<16xf32>
      %jit3A_69 = arith.constant 64 : i32
      %div3A = arith.divsi %scan3A_66, %jit3A_69 : i32
      %sign3A = arith.constant 0 : i32
      %sign3A_70 = arith.cmpi sgt, %scan3A_66, %sign3A : i32
      %sign3A_71 = arith.extui %sign3A_70 : i1 to i32
      %sign3A_72 = arith.constant 0 : i32
      %sign3A_73 = arith.cmpi slt, %scan3A_66, %sign3A_72 : i32
      %sign3A_74 = arith.extui %sign3A_73 : i1 to i32
      %sign3A_75 = arith.subi %sign3A_71, %sign3A_74 : i32
      %sign3A_76 = arith.constant 0 : i32
      %sign3A_77 = arith.cmpi sgt, %jit3A_69, %sign3A_76 : i32
      %sign3A_78 = arith.extui %sign3A_77 : i1 to i32
      %sign3A_79 = arith.constant 0 : i32
      %sign3A_80 = arith.cmpi slt, %jit3A_69, %sign3A_79 : i32
      %sign3A_81 = arith.extui %sign3A_80 : i1 to i32
      %sign3A_82 = arith.subi %sign3A_78, %sign3A_81 : i32
      %ne3A = arith.cmpi ne, %sign3A_75, %sign3A_82 : i32
      %rem3A = arith.remsi %scan3A_66, %jit3A_69 : i32
      %ne3A_83 = arith.constant 0 : i32
      %ne3A_84 = arith.cmpi ne, %rem3A, %ne3A_83 : i32
      %and3A = arith.andi %ne3A, %ne3A_84 : i1
      %sub3A_85 = arith.constant 1 : i32
      %sub3A_86 = arith.subi %div3A, %sub3A_85 : i32
      %select_n3A_87 = arith.select %and3A, %sub3A_86, %div3A : i32
      %jit3A_88 = arith.constant 64 : i32
      %eq3A = arith.constant 0 : i32
      %eq3A_89 = arith.cmpi eq, %jit3A_88, %eq3A : i32
      %jit3A_90 = arith.constant 1 : i32
      %select_n3A_91 = arith.select %eq3A_89, %jit3A_90, %jit3A_88 : i32
      %rem3A_92 = arith.remsi %scan3A_66, %select_n3A_91 : i32
      %ne3A_93 = arith.constant 0 : i32
      %ne3A_94 = arith.cmpi ne, %rem3A_92, %ne3A_93 : i32
      %lt3A_95 = arith.constant 0 : i32
      %lt3A_96 = arith.cmpi slt, %rem3A_92, %lt3A_95 : i32
      %lt3A_97 = arith.constant 0 : i32
      %lt3A_98 = arith.cmpi slt, %select_n3A_91, %lt3A_97 : i32
      %ne3A_99 = arith.xori %lt3A_96, %lt3A_98 : i1
      %and3A_100 = arith.andi %ne3A_99, %ne3A_94 : i1
      %add3A_101 = arith.addi %rem3A_92, %select_n3A_91 : i32
      %select_n3A_102 = arith.select %and3A_100, %add3A_101, %rem3A_92 : i32
      %mul3A_103 = arith.constant 16 : i32
      %mul3A_104 = arith.muli %select_n3A_102, %mul3A_103 : i32
      %swap3A = arith.index_cast %select_n3A_87 : i32 to index
      %swap3A_105 = arith.index_cast %mul3A_104 : i32 to index
      %swap3A_106 = tpu.vector_load %arg5[%swap3A, %swap3A_105] {strides = array<i32>} : memref<32x1024xf32, #tpu.memory_space<vmem>>, vector<16xf32>,
      tpu.vector_store %arg5[%swap3A, %swap3A_105], %broadcast_in_dim3A_68 {strides = array<i32>} : memref<32x1024xf32, #tpu.memory_space<vmem>>, vector<16xf32>,
      %swap3A_107 = arith.index_cast %select_n3A_87 : i32 to index
      %swap3A_108 = arith.index_cast %mul3A_104 : i32 to index
      %swap3A_109 = tpu.vector_load %arg6[%swap3A_107, %swap3A_108] {strides = array<i32>} : memref<32x1024xf32, #tpu.memory_space<vmem>>, vector<16xf32>,
      tpu.vector_store %arg6[%swap3A_107, %swap3A_108], %broadcast_in_dim3A_68 {strides = array<i32>} : memref<32x1024xf32, #tpu.memory_space<vmem>>, vector<16xf32>,
    }
    %scan3A_15 = arith.constant 2048 : i32
    tpu.wait_dma2 semaphore(%arg9 : memref<!tpu.dma_semaphore, #tpu.memory_space<semaphore_mem>>) src(%arg2 : memref<16384xi32, #tpu.memory_space<hbm>>) dst(%arg4 : memref<16384xi32, #tpu.memory_space<vmem>>)
    %iota3A = tpu.iota {dimensions = array<i32: 0>} : vector<16xi32>
    %broadcast_in_dim3A = arith.constant 1.000000e+00 : f32
    %broadcast_in_dim3A_16 = vector.broadcast %broadcast_in_dim3A : f32 to vector<16xf32>
    %broadcast_in_dim3A_17 = arith.constant 0.000000e+00 : f32
    %broadcast_in_dim3A_18 = vector.broadcast %broadcast_in_dim3A_17 : f32 to vector<16xf32>
    %scan3A_19 = arith.constant 0 : i32
    %scan3A_20 = arith.constant 0 : i32
    %scan3A_21 = arith.constant 64 : i32
    %scan3A_22 = arith.addi %scan3A_20, %scan3A_21 : i32
    %scan3A_23 = arith.constant 1 : i32
    scf.for %scan3A_66 = %scan3A_20 to %scan3A_22 step %scan3A_23  : i32 {
      %mul3A_67 = arith.constant 16 : i32
      %mul3A_68 = arith.muli %scan3A_66, %mul3A_67 : i32
      %add3A_69 = arith.constant 0 : i32
      %add3A_70 = arith.addi %add3A_69, %mul3A_68 : i32
      %get3A = arith.index_cast %add3A_70 : i32 to index
      %get3A_71 = tpu.vector_load %arg4[%get3A] {strides = array<i32>} : memref<16384xi32, #tpu.memory_space<vmem>>, vector<16xi32>,
      %sub3A_72 = vector.broadcast %select_n3A : i32 to vector<16xi32>
      %sub3A_73 = arith.subi %get3A_71, %sub3A_72 : vector<16xi32>
      %ge3A = arith.constant 0 : i32
      %ge3A_74 = vector.broadcast %ge3A : i32 to vector<16xi32>
      %ge3A_75 = arith.cmpi sge, %sub3A_73, %ge3A_74 : vector<16xi32>
      %lt3A_76 = vector.broadcast %select_n3A_10 : i32 to vector<16xi32>
      %lt3A_77 = arith.cmpi slt, %sub3A_73, %lt3A_76 : vector<16xi32>
      %and3A = arith.andi %ge3A_75, %lt3A_77 : vector<16xi1>
      %mul3A_78 = arith.constant 16 : i32
      %mul3A_79 = arith.muli %scan3A_66, %mul3A_78 : i32
      %add3A_80 = vector.broadcast %mul3A_79 : i32 to vector<16xi32>
      %add3A_81 = arith.addi %add3A_80, %iota3A : vector<16xi32>
      tpu.vector_store_idx %arg5[%sub3A_73, %add3A_81], %broadcast_in_dim3A_16 masked %and3A : memref<32x1024xf32, #tpu.memory_space<vmem>>[vector<16xi32>, vector<16xi32>], vector<16xf32>, vector<16xi1>
    }
    %scan3A_24 = arith.constant 64 : i32
    %convert_element_type3A = arith.extui %lt3A_1 : i1 to i32
    %cond3A = arith.constant 0 : i32
    %cond3A_25 = arith.cmpi ne, %convert_element_type3A, %cond3A : i32
    scf.if %cond3A_25 {
      %dma_start3A = arith.constant 0 : i32
      %dma_start3A_66 = tpu.memref_slice %arg3[%select_n3A, %dma_start3A] : memref<1000x16384xf32, #tpu.memory_space<hbm>> -> memref<32x1024xf32, #tpu.memory_space<hbm>>
      %dma_start3A_67 = arith.constant 0 : i32
      %dma_start3A_68 = tpu.memref_slice %arg3[%select_n3A, %dma_start3A_67] : memref<1000x16384xf32, #tpu.memory_space<hbm>> -> memref<32x1024xf32, #tpu.memory_space<hbm>>
      tpu.enqueue_dma source(%arg5 : memref<32x1024xf32, #tpu.memory_space<vmem>>) target(%dma_start3A_68 : memref<32x1024xf32, #tpu.memory_space<hbm>>) target_semaphore(%arg7 : memref<!tpu.dma_semaphore, #tpu.memory_space<semaphore_mem>>)
    } else {
    }
    %not3A = arith.constant true
    %not3A_26 = arith.xori %lt3A_1, %not3A : i1
    %convert_element_type3A_27 = arith.extui %not3A_26 : i1 to i32
    %cond3A_28 = arith.constant 0 : i32
    %cond3A_29 = arith.cmpi ne, %convert_element_type3A_27, %cond3A_28 : i32
    scf.if %cond3A_29 {
      %dma_start3A = arith.constant 0 : i32
      %dma_start3A_66 = arith.constant 0 : i32
      %dma_start3A_67 = tpu.memref_slice %arg5[%dma_start3A, %dma_start3A_66] : memref<32x1024xf32, #tpu.memory_space<vmem>> -> memref<24x1024xf32, #tpu.memory_space<vmem>>
      %dma_start3A_68 = arith.constant 0 : i32
      %dma_start3A_69 = tpu.memref_slice %arg3[%select_n3A, %dma_start3A_68] : memref<1000x16384xf32, #tpu.memory_space<hbm>> -> memref<24x1024xf32, #tpu.memory_space<hbm>>
      %dma_start3A_70 = arith.constant 0 : i32
      %dma_start3A_71 = tpu.memref_slice %arg3[%select_n3A, %dma_start3A_70] : memref<1000x16384xf32, #tpu.memory_space<hbm>> -> memref<24x1024xf32, #tpu.memory_space<hbm>>
      %dma_start3A_72 = arith.constant 0 : i32
      %dma_start3A_73 = arith.constant 0 : i32
      %dma_start3A_74 = tpu.memref_slice %arg5[%dma_start3A_72, %dma_start3A_73] : memref<32x1024xf32, #tpu.memory_space<vmem>> -> memref<24x1024xf32, #tpu.memory_space<vmem>>
      tpu.enqueue_dma source(%dma_start3A_74 : memref<24x1024xf32, #tpu.memory_space<vmem>>) target(%dma_start3A_71 : memref<24x1024xf32, #tpu.memory_space<hbm>>) target_semaphore(%arg7 : memref<!tpu.dma_semaphore, #tpu.memory_space<semaphore_mem>>)
    } else {
    }
    %scan3A_30 = arith.constant 0 : i32
    %scan3A_31 = arith.constant 0 : i32
    %scan3A_32 = arith.constant 64 : i32
    %scan3A_33 = arith.addi %scan3A_31, %scan3A_32 : i32
    %scan3A_34 = arith.constant 1 : i32
    scf.for %scan3A_66 = %scan3A_31 to %scan3A_33 step %scan3A_34  : i32 {
      %mul3A_67 = arith.constant 16 : i32
      %mul3A_68 = arith.muli %scan3A_66, %mul3A_67 : i32
      %add3A_69 = arith.constant 1024 : i32
      %add3A_70 = arith.addi %add3A_69, %mul3A_68 : i32
      %get3A = arith.index_cast %add3A_70 : i32 to index
      %get3A_71 = tpu.vector_load %arg4[%get3A] {strides = array<i32>} : memref<16384xi32, #tpu.memory_space<vmem>>, vector<16xi32>,
      %sub3A_72 = vector.broadcast %select_n3A : i32 to vector<16xi32>
      %sub3A_73 = arith.subi %get3A_71, %sub3A_72 : vector<16xi32>
      %ge3A = arith.constant 0 : i32
      %ge3A_74 = vector.broadcast %ge3A : i32 to vector<16xi32>
      %ge3A_75 = arith.cmpi sge, %sub3A_73, %ge3A_74 : vector<16xi32>
      %lt3A_76 = vector.broadcast %select_n3A_10 : i32 to vector<16xi32>
      %lt3A_77 = arith.cmpi slt, %sub3A_73, %lt3A_76 : vector<16xi32>
      %and3A = arith.andi %ge3A_75, %lt3A_77 : vector<16xi1>
      %mul3A_78 = arith.constant 16 : i32
      %mul3A_79 = arith.muli %scan3A_66, %mul3A_78 : i32
      %add3A_80 = vector.broadcast %mul3A_79 : i32 to vector<16xi32>
      %add3A_81 = arith.addi %add3A_80, %iota3A : vector<16xi32>
      tpu.vector_store_idx %arg6[%sub3A_73, %add3A_81], %broadcast_in_dim3A_16 masked %and3A : memref<32x1024xf32, #tpu.memory_space<vmem>>[vector<16xi32>, vector<16xi32>], vector<16xf32>, vector<16xi1>
    }
    %scan3A_35 = arith.constant 64 : i32
    %convert_element_type3A_36 = arith.extui %lt3A_1 : i1 to i32
    %cond3A_37 = arith.constant 0 : i32
    %cond3A_38 = arith.cmpi ne, %convert_element_type3A_36, %cond3A_37 : i32
    scf.if %cond3A_38 {
      %dma_start3A = arith.constant 1024 : i32
      %dma_start3A_66 = tpu.memref_slice %arg3[%select_n3A, %dma_start3A] : memref<1000x16384xf32, #tpu.memory_space<hbm>> -> memref<32x1024xf32, #tpu.memory_space<hbm>>
      %dma_start3A_67 = arith.constant 1024 : i32
      %dma_start3A_68 = tpu.memref_slice %arg3[%select_n3A, %dma_start3A_67] : memref<1000x16384xf32, #tpu.memory_space<hbm>> -> memref<32x1024xf32, #tpu.memory_space<hbm>>
      tpu.enqueue_dma source(%arg6 : memref<32x1024xf32, #tpu.memory_space<vmem>>) target(%dma_start3A_68 : memref<32x1024xf32, #tpu.memory_space<hbm>>) target_semaphore(%arg8 : memref<!tpu.dma_semaphore, #tpu.memory_space<semaphore_mem>>)
    } else {
    }
    %not3A_39 = arith.constant true
    %not3A_40 = arith.xori %lt3A_1, %not3A_39 : i1
    %convert_element_type3A_41 = arith.extui %not3A_40 : i1 to i32
    %cond3A_42 = arith.constant 0 : i32
    %cond3A_43 = arith.cmpi ne, %convert_element_type3A_41, %cond3A_42 : i32
    scf.if %cond3A_43 {
      %dma_start3A = arith.constant 0 : i32
      %dma_start3A_66 = arith.constant 0 : i32
      %dma_start3A_67 = tpu.memref_slice %arg6[%dma_start3A, %dma_start3A_66] : memref<32x1024xf32, #tpu.memory_space<vmem>> -> memref<24x1024xf32, #tpu.memory_space<vmem>>
      %dma_start3A_68 = arith.constant 1024 : i32
      %dma_start3A_69 = tpu.memref_slice %arg3[%select_n3A, %dma_start3A_68] : memref<1000x16384xf32, #tpu.memory_space<hbm>> -> memref<24x1024xf32, #tpu.memory_space<hbm>>
      %dma_start3A_70 = arith.constant 1024 : i32
      %dma_start3A_71 = tpu.memref_slice %arg3[%select_n3A, %dma_start3A_70] : memref<1000x16384xf32, #tpu.memory_space<hbm>> -> memref<24x1024xf32, #tpu.memory_space<hbm>>
      %dma_start3A_72 = arith.constant 0 : i32
      %dma_start3A_73 = arith.constant 0 : i32
      %dma_start3A_74 = tpu.memref_slice %arg6[%dma_start3A_72, %dma_start3A_73] : memref<32x1024xf32, #tpu.memory_space<vmem>> -> memref<24x1024xf32, #tpu.memory_space<vmem>>
      tpu.enqueue_dma source(%dma_start3A_74 : memref<24x1024xf32, #tpu.memory_space<vmem>>) target(%dma_start3A_71 : memref<24x1024xf32, #tpu.memory_space<hbm>>) target_semaphore(%arg8 : memref<!tpu.dma_semaphore, #tpu.memory_space<semaphore_mem>>)
    } else {
    }
    %scan3A_44 = arith.constant 0 : i32
    %scan3A_45 = arith.constant 1 : i32
    %scan3A_46 = arith.constant 7 : i32
    %scan3A_47 = arith.addi %scan3A_45, %scan3A_46 : i32
    %scan3A_48 = arith.constant 1 : i32
    scf.for %scan3A_66 = %scan3A_45 to %scan3A_47 step %scan3A_48  : i32 {
      %mul3A_67 = arith.constant 2 : i32
      %mul3A_68 = arith.muli %mul3A_67, %scan3A_66 : i32
      %add3A_69 = arith.constant 0 : i32
      %add3A_70 = arith.addi %mul3A_68, %add3A_69 : i32
      %sub3A_71 = arith.constant 2 : i32
      %sub3A_72 = arith.subi %add3A_70, %sub3A_71 : i32
      %mul3A_73 = arith.constant 1024 : i32
      %mul3A_74 = arith.muli %sub3A_72, %mul3A_73 : i32
      %mul3A_75 = arith.constant 1024 : i32
      %mul3A_76 = arith.muli %sub3A_72, %mul3A_75 : i32
      %convert_element_type3A_77 = arith.extui %lt3A_1 : i1 to i32
      %cond3A_78 = arith.constant 0 : i32
      %cond3A_79 = arith.cmpi ne, %convert_element_type3A_77, %cond3A_78 : i32
      scf.if %cond3A_79 {
        %dma_wait3A = tpu.memref_slice %arg3[%select_n3A, %mul3A_74] : memref<1000x16384xf32, #tpu.memory_space<hbm>> -> memref<32x1024xf32, #tpu.memory_space<hbm>>
        %dma_wait3A_155 = tpu.memref_slice %arg3[%select_n3A, %mul3A_74] : memref<1000x16384xf32, #tpu.memory_space<hbm>> -> memref<32x1024xf32, #tpu.memory_space<hbm>>
        tpu.wait_dma2 semaphore(%arg7 : memref<!tpu.dma_semaphore, #tpu.memory_space<semaphore_mem>>) src(%arg5 : memref<32x1024xf32, #tpu.memory_space<vmem>>) dst(%dma_wait3A_155 : memref<32x1024xf32, #tpu.memory_space<hbm>>)
      } else {
      }
      %not3A_80 = arith.constant true
      %not3A_81 = arith.xori %lt3A_1, %not3A_80 : i1
      %convert_element_type3A_82 = arith.extui %not3A_81 : i1 to i32
      %cond3A_83 = arith.constant 0 : i32
      %cond3A_84 = arith.cmpi ne, %convert_element_type3A_82, %cond3A_83 : i32
      scf.if %cond3A_84 {
        %dma_wait3A = arith.constant 0 : i32
        %dma_wait3A_155 = arith.constant 0 : i32
        %dma_wait3A_156 = tpu.memref_slice %arg5[%dma_wait3A, %dma_wait3A_155] : memref<32x1024xf32, #tpu.memory_space<vmem>> -> memref<24x1024xf32, #tpu.memory_space<vmem>>
        %dma_wait3A_157 = tpu.memref_slice %arg3[%select_n3A, %mul3A_76] : memref<1000x16384xf32, #tpu.memory_space<hbm>> -> memref<24x1024xf32, #tpu.memory_space<hbm>>
        %dma_wait3A_158 = tpu.memref_slice %arg3[%select_n3A, %mul3A_76] : memref<1000x16384xf32, #tpu.memory_space<hbm>> -> memref<24x1024xf32, #tpu.memory_space<hbm>>
        %dma_wait3A_159 = arith.constant 0 : i32
        %dma_wait3A_160 = arith.constant 0 : i32
        %dma_wait3A_161 = tpu.memref_slice %arg5[%dma_wait3A_159, %dma_wait3A_160] : memref<32x1024xf32, #tpu.memory_space<vmem>> -> memref<24x1024xf32, #tpu.memory_space<vmem>>
        tpu.wait_dma2 semaphore(%arg7 : memref<!tpu.dma_semaphore, #tpu.memory_space<semaphore_mem>>) src(%dma_wait3A_161 : memref<24x1024xf32, #tpu.memory_space<vmem>>) dst(%dma_wait3A_158 : memref<24x1024xf32, #tpu.memory_space<hbm>>)
      } else {
      }
      %sub3A_85 = arith.constant 2 : i32
      %sub3A_86 = arith.subi %add3A_70, %sub3A_85 : i32
      %scan3A_87 = arith.constant 0 : i32
      %scan3A_88 = arith.constant 0 : i32
      %scan3A_89 = arith.constant 64 : i32
      %scan3A_90 = arith.addi %scan3A_88, %scan3A_89 : i32
      %scan3A_91 = arith.constant 1 : i32
      scf.for %scan3A_155 = %scan3A_88 to %scan3A_90 step %scan3A_91  : i32 {
        %mul3A_156 = arith.constant 1024 : i32
        %mul3A_157 = arith.muli %sub3A_86, %mul3A_156 : i32
        %mul3A_158 = arith.constant 16 : i32
        %mul3A_159 = arith.muli %scan3A_155, %mul3A_158 : i32
        %add3A_160 = arith.addi %mul3A_157, %mul3A_159 : i32
        %get3A = arith.index_cast %add3A_160 : i32 to index
        %get3A_161 = tpu.vector_load %arg4[%get3A] {strides = array<i32>} : memref<16384xi32, #tpu.memory_space<vmem>>, vector<16xi32>,
        %sub3A_162 = vector.broadcast %select_n3A : i32 to vector<16xi32>
        %sub3A_163 = arith.subi %get3A_161, %sub3A_162 : vector<16xi32>
        %ge3A = arith.constant 0 : i32
        %ge3A_164 = vector.broadcast %ge3A : i32 to vector<16xi32>
        %ge3A_165 = arith.cmpi sge, %sub3A_163, %ge3A_164 : vector<16xi32>
        %lt3A_166 = vector.broadcast %select_n3A_10 : i32 to vector<16xi32>
        %lt3A_167 = arith.cmpi slt, %sub3A_163, %lt3A_166 : vector<16xi32>
        %and3A = arith.andi %ge3A_165, %lt3A_167 : vector<16xi1>
        %mul3A_168 = arith.constant 16 : i32
        %mul3A_169 = arith.muli %scan3A_155, %mul3A_168 : i32
        %add3A_170 = vector.broadcast %mul3A_169 : i32 to vector<16xi32>
        %add3A_171 = arith.addi %add3A_170, %iota3A : vector<16xi32>
        tpu.vector_store_idx %arg5[%sub3A_163, %add3A_171], %broadcast_in_dim3A_18 masked %and3A : memref<32x1024xf32, #tpu.memory_space<vmem>>[vector<16xi32>, vector<16xi32>], vector<16xf32>, vector<16xi1>
      }
      %scan3A_92 = arith.constant 64 : i32
      %scan3A_93 = arith.constant 0 : i32
      %scan3A_94 = arith.constant 0 : i32
      %scan3A_95 = arith.constant 64 : i32
      %scan3A_96 = arith.addi %scan3A_94, %scan3A_95 : i32
      %scan3A_97 = arith.constant 1 : i32
      scf.for %scan3A_155 = %scan3A_94 to %scan3A_96 step %scan3A_97  : i32 {
        %mul3A_156 = arith.constant 1024 : i32
        %mul3A_157 = arith.muli %add3A_70, %mul3A_156 : i32
        %mul3A_158 = arith.constant 16 : i32
        %mul3A_159 = arith.muli %scan3A_155, %mul3A_158 : i32
        %add3A_160 = arith.addi %mul3A_157, %mul3A_159 : i32
        %get3A = arith.index_cast %add3A_160 : i32 to index
        %get3A_161 = tpu.vector_load %arg4[%get3A] {strides = array<i32>} : memref<16384xi32, #tpu.memory_space<vmem>>, vector<16xi32>,
        %sub3A_162 = vector.broadcast %select_n3A : i32 to vector<16xi32>
        %sub3A_163 = arith.subi %get3A_161, %sub3A_162 : vector<16xi32>
        %ge3A = arith.constant 0 : i32
        %ge3A_164 = vector.broadcast %ge3A : i32 to vector<16xi32>
        %ge3A_165 = arith.cmpi sge, %sub3A_163, %ge3A_164 : vector<16xi32>
        %lt3A_166 = vector.broadcast %select_n3A_10 : i32 to vector<16xi32>
        %lt3A_167 = arith.cmpi slt, %sub3A_163, %lt3A_166 : vector<16xi32>
        %and3A = arith.andi %ge3A_165, %lt3A_167 : vector<16xi1>
        %mul3A_168 = arith.constant 16 : i32
        %mul3A_169 = arith.muli %scan3A_155, %mul3A_168 : i32
        %add3A_170 = vector.broadcast %mul3A_169 : i32 to vector<16xi32>
        %add3A_171 = arith.addi %add3A_170, %iota3A : vector<16xi32>
        tpu.vector_store_idx %arg5[%sub3A_163, %add3A_171], %broadcast_in_dim3A_16 masked %and3A : memref<32x1024xf32, #tpu.memory_space<vmem>>[vector<16xi32>, vector<16xi32>], vector<16xf32>, vector<16xi1>
      }
      %scan3A_98 = arith.constant 64 : i32
      %mul3A_99 = arith.constant 1024 : i32
      %mul3A_100 = arith.muli %add3A_70, %mul3A_99 : i32
      %mul3A_101 = arith.constant 1024 : i32
      %mul3A_102 = arith.muli %add3A_70, %mul3A_101 : i32
      %convert_element_type3A_103 = arith.extui %lt3A_1 : i1 to i32
      %cond3A_104 = arith.constant 0 : i32
      %cond3A_105 = arith.cmpi ne, %convert_element_type3A_103, %cond3A_104 : i32
      scf.if %cond3A_105 {
        %dma_start3A = tpu.memref_slice %arg3[%select_n3A, %mul3A_100] : memref<1000x16384xf32, #tpu.memory_space<hbm>> -> memref<32x1024xf32, #tpu.memory_space<hbm>>
        %dma_start3A_155 = tpu.memref_slice %arg3[%select_n3A, %mul3A_100] : memref<1000x16384xf32, #tpu.memory_space<hbm>> -> memref<32x1024xf32, #tpu.memory_space<hbm>>
        tpu.enqueue_dma source(%arg5 : memref<32x1024xf32, #tpu.memory_space<vmem>>) target(%dma_start3A_155 : memref<32x1024xf32, #tpu.memory_space<hbm>>) target_semaphore(%arg7 : memref<!tpu.dma_semaphore, #tpu.memory_space<semaphore_mem>>)
      } else {
      }
      %not3A_106 = arith.constant true
      %not3A_107 = arith.xori %lt3A_1, %not3A_106 : i1
      %convert_element_type3A_108 = arith.extui %not3A_107 : i1 to i32
      %cond3A_109 = arith.constant 0 : i32
      %cond3A_110 = arith.cmpi ne, %convert_element_type3A_108, %cond3A_109 : i32
      scf.if %cond3A_110 {
        %dma_start3A = arith.constant 0 : i32
        %dma_start3A_155 = arith.constant 0 : i32
        %dma_start3A_156 = tpu.memref_slice %arg5[%dma_start3A, %dma_start3A_155] : memref<32x1024xf32, #tpu.memory_space<vmem>> -> memref<24x1024xf32, #tpu.memory_space<vmem>>
        %dma_start3A_157 = tpu.memref_slice %arg3[%select_n3A, %mul3A_102] : memref<1000x16384xf32, #tpu.memory_space<hbm>> -> memref<24x1024xf32, #tpu.memory_space<hbm>>
        %dma_start3A_158 = tpu.memref_slice %arg3[%select_n3A, %mul3A_102] : memref<1000x16384xf32, #tpu.memory_space<hbm>> -> memref<24x1024xf32, #tpu.memory_space<hbm>>
        %dma_start3A_159 = arith.constant 0 : i32
        %dma_start3A_160 = arith.constant 0 : i32
        %dma_start3A_161 = tpu.memref_slice %arg5[%dma_start3A_159, %dma_start3A_160] : memref<32x1024xf32, #tpu.memory_space<vmem>> -> memref<24x1024xf32, #tpu.memory_space<vmem>>
        tpu.enqueue_dma source(%dma_start3A_161 : memref<24x1024xf32, #tpu.memory_space<vmem>>) target(%dma_start3A_158 : memref<24x1024xf32, #tpu.memory_space<hbm>>) target_semaphore(%arg7 : memref<!tpu.dma_semaphore, #tpu.memory_space<semaphore_mem>>)
      } else {
      }
      %mul3A_111 = arith.constant 2 : i32
      %mul3A_112 = arith.muli %mul3A_111, %scan3A_66 : i32
      %add3A_113 = arith.constant 1 : i32
      %add3A_114 = arith.addi %mul3A_112, %add3A_113 : i32
      %sub3A_115 = arith.constant 2 : i32
      %sub3A_116 = arith.subi %add3A_114, %sub3A_115 : i32
      %mul3A_117 = arith.constant 1024 : i32
      %mul3A_118 = arith.muli %sub3A_116, %mul3A_117 : i32
      %mul3A_119 = arith.constant 1024 : i32
      %mul3A_120 = arith.muli %sub3A_116, %mul3A_119 : i32
      %convert_element_type3A_121 = arith.extui %lt3A_1 : i1 to i32
      %cond3A_122 = arith.constant 0 : i32
      %cond3A_123 = arith.cmpi ne, %convert_element_type3A_121, %cond3A_122 : i32
      scf.if %cond3A_123 {
        %dma_wait3A = tpu.memref_slice %arg3[%select_n3A, %mul3A_118] : memref<1000x16384xf32, #tpu.memory_space<hbm>> -> memref<32x1024xf32, #tpu.memory_space<hbm>>
        %dma_wait3A_155 = tpu.memref_slice %arg3[%select_n3A, %mul3A_118] : memref<1000x16384xf32, #tpu.memory_space<hbm>> -> memref<32x1024xf32, #tpu.memory_space<hbm>>
        tpu.wait_dma2 semaphore(%arg8 : memref<!tpu.dma_semaphore, #tpu.memory_space<semaphore_mem>>) src(%arg6 : memref<32x1024xf32, #tpu.memory_space<vmem>>) dst(%dma_wait3A_155 : memref<32x1024xf32, #tpu.memory_space<hbm>>)
      } else {
      }
      %not3A_124 = arith.constant true
      %not3A_125 = arith.xori %lt3A_1, %not3A_124 : i1
      %convert_element_type3A_126 = arith.extui %not3A_125 : i1 to i32
      %cond3A_127 = arith.constant 0 : i32
      %cond3A_128 = arith.cmpi ne, %convert_element_type3A_126, %cond3A_127 : i32
      scf.if %cond3A_128 {
        %dma_wait3A = arith.constant 0 : i32
        %dma_wait3A_155 = arith.constant 0 : i32
        %dma_wait3A_156 = tpu.memref_slice %arg6[%dma_wait3A, %dma_wait3A_155] : memref<32x1024xf32, #tpu.memory_space<vmem>> -> memref<24x1024xf32, #tpu.memory_space<vmem>>
        %dma_wait3A_157 = tpu.memref_slice %arg3[%select_n3A, %mul3A_120] : memref<1000x16384xf32, #tpu.memory_space<hbm>> -> memref<24x1024xf32, #tpu.memory_space<hbm>>
        %dma_wait3A_158 = tpu.memref_slice %arg3[%select_n3A, %mul3A_120] : memref<1000x16384xf32, #tpu.memory_space<hbm>> -> memref<24x1024xf32, #tpu.memory_space<hbm>>
        %dma_wait3A_159 = arith.constant 0 : i32
        %dma_wait3A_160 = arith.constant 0 : i32
        %dma_wait3A_161 = tpu.memref_slice %arg6[%dma_wait3A_159, %dma_wait3A_160] : memref<32x1024xf32, #tpu.memory_space<vmem>> -> memref<24x1024xf32, #tpu.memory_space<vmem>>
        tpu.wait_dma2 semaphore(%arg8 : memref<!tpu.dma_semaphore, #tpu.memory_space<semaphore_mem>>) src(%dma_wait3A_161 : memref<24x1024xf32, #tpu.memory_space<vmem>>) dst(%dma_wait3A_158 : memref<24x1024xf32, #tpu.memory_space<hbm>>)
      } else {
      }
      %sub3A_129 = arith.constant 2 : i32
      %sub3A_130 = arith.subi %add3A_114, %sub3A_129 : i32
      %scan3A_131 = arith.constant 0 : i32
      %scan3A_132 = arith.constant 0 : i32
      %scan3A_133 = arith.constant 64 : i32
      %scan3A_134 = arith.addi %scan3A_132, %scan3A_133 : i32
      %scan3A_135 = arith.constant 1 : i32
      scf.for %scan3A_155 = %scan3A_132 to %scan3A_134 step %scan3A_135  : i32 {
        %mul3A_156 = arith.constant 1024 : i32
        %mul3A_157 = arith.muli %sub3A_130, %mul3A_156 : i32
        %mul3A_158 = arith.constant 16 : i32
        %mul3A_159 = arith.muli %scan3A_155, %mul3A_158 : i32
        %add3A_160 = arith.addi %mul3A_157, %mul3A_159 : i32
        %get3A = arith.index_cast %add3A_160 : i32 to index
        %get3A_161 = tpu.vector_load %arg4[%get3A] {strides = array<i32>} : memref<16384xi32, #tpu.memory_space<vmem>>, vector<16xi32>,
        %sub3A_162 = vector.broadcast %select_n3A : i32 to vector<16xi32>
        %sub3A_163 = arith.subi %get3A_161, %sub3A_162 : vector<16xi32>
        %ge3A = arith.constant 0 : i32
        %ge3A_164 = vector.broadcast %ge3A : i32 to vector<16xi32>
        %ge3A_165 = arith.cmpi sge, %sub3A_163, %ge3A_164 : vector<16xi32>
        %lt3A_166 = vector.broadcast %select_n3A_10 : i32 to vector<16xi32>
        %lt3A_167 = arith.cmpi slt, %sub3A_163, %lt3A_166 : vector<16xi32>
        %and3A = arith.andi %ge3A_165, %lt3A_167 : vector<16xi1>
        %mul3A_168 = arith.constant 16 : i32
        %mul3A_169 = arith.muli %scan3A_155, %mul3A_168 : i32
        %add3A_170 = vector.broadcast %mul3A_169 : i32 to vector<16xi32>
        %add3A_171 = arith.addi %add3A_170, %iota3A : vector<16xi32>
        tpu.vector_store_idx %arg6[%sub3A_163, %add3A_171], %broadcast_in_dim3A_18 masked %and3A : memref<32x1024xf32, #tpu.memory_space<vmem>>[vector<16xi32>, vector<16xi32>], vector<16xf32>, vector<16xi1>
      }
      %scan3A_136 = arith.constant 64 : i32
      %scan3A_137 = arith.constant 0 : i32
      %scan3A_138 = arith.constant 0 : i32
      %scan3A_139 = arith.constant 64 : i32
      %scan3A_140 = arith.addi %scan3A_138, %scan3A_139 : i32
      %scan3A_141 = arith.constant 1 : i32
      scf.for %scan3A_155 = %scan3A_138 to %scan3A_140 step %scan3A_141  : i32 {
        %mul3A_156 = arith.constant 1024 : i32
        %mul3A_157 = arith.muli %add3A_114, %mul3A_156 : i32
        %mul3A_158 = arith.constant 16 : i32
        %mul3A_159 = arith.muli %scan3A_155, %mul3A_158 : i32
        %add3A_160 = arith.addi %mul3A_157, %mul3A_159 : i32
        %get3A = arith.index_cast %add3A_160 : i32 to index
        %get3A_161 = tpu.vector_load %arg4[%get3A] {strides = array<i32>} : memref<16384xi32, #tpu.memory_space<vmem>>, vector<16xi32>,
        %sub3A_162 = vector.broadcast %select_n3A : i32 to vector<16xi32>
        %sub3A_163 = arith.subi %get3A_161, %sub3A_162 : vector<16xi32>
        %ge3A = arith.constant 0 : i32
        %ge3A_164 = vector.broadcast %ge3A : i32 to vector<16xi32>
        %ge3A_165 = arith.cmpi sge, %sub3A_163, %ge3A_164 : vector<16xi32>
        %lt3A_166 = vector.broadcast %select_n3A_10 : i32 to vector<16xi32>
        %lt3A_167 = arith.cmpi slt, %sub3A_163, %lt3A_166 : vector<16xi32>
        %and3A = arith.andi %ge3A_165, %lt3A_167 : vector<16xi1>
        %mul3A_168 = arith.constant 16 : i32
        %mul3A_169 = arith.muli %scan3A_155, %mul3A_168 : i32
        %add3A_170 = vector.broadcast %mul3A_169 : i32 to vector<16xi32>
        %add3A_171 = arith.addi %add3A_170, %iota3A : vector<16xi32>
        tpu.vector_store_idx %arg6[%sub3A_163, %add3A_171], %broadcast_in_dim3A_16 masked %and3A : memref<32x1024xf32, #tpu.memory_space<vmem>>[vector<16xi32>, vector<16xi32>], vector<16xf32>, vector<16xi1>
      }
      %scan3A_142 = arith.constant 64 : i32
      %mul3A_143 = arith.constant 1024 : i32
      %mul3A_144 = arith.muli %add3A_114, %mul3A_143 : i32
      %mul3A_145 = arith.constant 1024 : i32
      %mul3A_146 = arith.muli %add3A_114, %mul3A_145 : i32
      %convert_element_type3A_147 = arith.extui %lt3A_1 : i1 to i32
      %cond3A_148 = arith.constant 0 : i32
      %cond3A_149 = arith.cmpi ne, %convert_element_type3A_147, %cond3A_148 : i32
      scf.if %cond3A_149 {
        %dma_start3A = tpu.memref_slice %arg3[%select_n3A, %mul3A_144] : memref<1000x16384xf32, #tpu.memory_space<hbm>> -> memref<32x1024xf32, #tpu.memory_space<hbm>>
        %dma_start3A_155 = tpu.memref_slice %arg3[%select_n3A, %mul3A_144] : memref<1000x16384xf32, #tpu.memory_space<hbm>> -> memref<32x1024xf32, #tpu.memory_space<hbm>>
        tpu.enqueue_dma source(%arg6 : memref<32x1024xf32, #tpu.memory_space<vmem>>) target(%dma_start3A_155 : memref<32x1024xf32, #tpu.memory_space<hbm>>) target_semaphore(%arg8 : memref<!tpu.dma_semaphore, #tpu.memory_space<semaphore_mem>>)
      } else {
      }
      %not3A_150 = arith.constant true
      %not3A_151 = arith.xori %lt3A_1, %not3A_150 : i1
      %convert_element_type3A_152 = arith.extui %not3A_151 : i1 to i32
      %cond3A_153 = arith.constant 0 : i32
      %cond3A_154 = arith.cmpi ne, %convert_element_type3A_152, %cond3A_153 : i32
      scf.if %cond3A_154 {
        %dma_start3A = arith.constant 0 : i32
        %dma_start3A_155 = arith.constant 0 : i32
        %dma_start3A_156 = tpu.memref_slice %arg6[%dma_start3A, %dma_start3A_155] : memref<32x1024xf32, #tpu.memory_space<vmem>> -> memref<24x1024xf32, #tpu.memory_space<vmem>>
        %dma_start3A_157 = tpu.memref_slice %arg3[%select_n3A, %mul3A_146] : memref<1000x16384xf32, #tpu.memory_space<hbm>> -> memref<24x1024xf32, #tpu.memory_space<hbm>>
        %dma_start3A_158 = tpu.memref_slice %arg3[%select_n3A, %mul3A_146] : memref<1000x16384xf32, #tpu.memory_space<hbm>> -> memref<24x1024xf32, #tpu.memory_space<hbm>>
        %dma_start3A_159 = arith.constant 0 : i32
        %dma_start3A_160 = arith.constant 0 : i32
        %dma_start3A_161 = tpu.memref_slice %arg6[%dma_start3A_159, %dma_start3A_160] : memref<32x1024xf32, #tpu.memory_space<vmem>> -> memref<24x1024xf32, #tpu.memory_space<vmem>>
        tpu.enqueue_dma source(%dma_start3A_161 : memref<24x1024xf32, #tpu.memory_space<vmem>>) target(%dma_start3A_158 : memref<24x1024xf32, #tpu.memory_space<hbm>>) target_semaphore(%arg8 : memref<!tpu.dma_semaphore, #tpu.memory_space<semaphore_mem>>)
      } else {
      }
    }
    %scan3A_49 = arith.constant 7 : i32
    %convert_element_type3A_50 = arith.extui %lt3A_1 : i1 to i32
    %cond3A_51 = arith.constant 0 : i32
    %cond3A_52 = arith.cmpi ne, %convert_element_type3A_50, %cond3A_51 : i32
    scf.if %cond3A_52 {
      %dma_wait3A = arith.constant 14336 : i32
      %dma_wait3A_66 = tpu.memref_slice %arg3[%select_n3A, %dma_wait3A] : memref<1000x16384xf32, #tpu.memory_space<hbm>> -> memref<32x1024xf32, #tpu.memory_space<hbm>>
      %dma_wait3A_67 = arith.constant 14336 : i32
      %dma_wait3A_68 = tpu.memref_slice %arg3[%select_n3A, %dma_wait3A_67] : memref<1000x16384xf32, #tpu.memory_space<hbm>> -> memref<32x1024xf32, #tpu.memory_space<hbm>>
      tpu.wait_dma2 semaphore(%arg7 : memref<!tpu.dma_semaphore, #tpu.memory_space<semaphore_mem>>) src(%arg5 : memref<32x1024xf32, #tpu.memory_space<vmem>>) dst(%dma_wait3A_68 : memref<32x1024xf32, #tpu.memory_space<hbm>>)
    } else {
    }
    %not3A_53 = arith.constant true
    %not3A_54 = arith.xori %lt3A_1, %not3A_53 : i1
    %convert_element_type3A_55 = arith.extui %not3A_54 : i1 to i32
    %cond3A_56 = arith.constant 0 : i32
    %cond3A_57 = arith.cmpi ne, %convert_element_type3A_55, %cond3A_56 : i32
    scf.if %cond3A_57 {
      %dma_wait3A = arith.constant 0 : i32
      %dma_wait3A_66 = arith.constant 0 : i32
      %dma_wait3A_67 = tpu.memref_slice %arg5[%dma_wait3A, %dma_wait3A_66] : memref<32x1024xf32, #tpu.memory_space<vmem>> -> memref<24x1024xf32, #tpu.memory_space<vmem>>
      %dma_wait3A_68 = arith.constant 14336 : i32
      %dma_wait3A_69 = tpu.memref_slice %arg3[%select_n3A, %dma_wait3A_68] : memref<1000x16384xf32, #tpu.memory_space<hbm>> -> memref<24x1024xf32, #tpu.memory_space<hbm>>
      %dma_wait3A_70 = arith.constant 14336 : i32
      %dma_wait3A_71 = tpu.memref_slice %arg3[%select_n3A, %dma_wait3A_70] : memref<1000x16384xf32, #tpu.memory_space<hbm>> -> memref<24x1024xf32, #tpu.memory_space<hbm>>
      %dma_wait3A_72 = arith.constant 0 : i32
      %dma_wait3A_73 = arith.constant 0 : i32
      %dma_wait3A_74 = tpu.memref_slice %arg5[%dma_wait3A_72, %dma_wait3A_73] : memref<32x1024xf32, #tpu.memory_space<vmem>> -> memref<24x1024xf32, #tpu.memory_space<vmem>>
      tpu.wait_dma2 semaphore(%arg7 : memref<!tpu.dma_semaphore, #tpu.memory_space<semaphore_mem>>) src(%dma_wait3A_74 : memref<24x1024xf32, #tpu.memory_space<vmem>>) dst(%dma_wait3A_71 : memref<24x1024xf32, #tpu.memory_space<hbm>>)
    } else {
    }
    %convert_element_type3A_58 = arith.extui %lt3A_1 : i1 to i32
    %cond3A_59 = arith.constant 0 : i32
    %cond3A_60 = arith.cmpi ne, %convert_element_type3A_58, %cond3A_59 : i32
    scf.if %cond3A_60 {
      %dma_wait3A = arith.constant 15360 : i32
      %dma_wait3A_66 = tpu.memref_slice %arg3[%select_n3A, %dma_wait3A] : memref<1000x16384xf32, #tpu.memory_space<hbm>> -> memref<32x1024xf32, #tpu.memory_space<hbm>>
      %dma_wait3A_67 = arith.constant 15360 : i32
      %dma_wait3A_68 = tpu.memref_slice %arg3[%select_n3A, %dma_wait3A_67] : memref<1000x16384xf32, #tpu.memory_space<hbm>> -> memref<32x1024xf32, #tpu.memory_space<hbm>>
      tpu.wait_dma2 semaphore(%arg8 : memref<!tpu.dma_semaphore, #tpu.memory_space<semaphore_mem>>) src(%arg6 : memref<32x1024xf32, #tpu.memory_space<vmem>>) dst(%dma_wait3A_68 : memref<32x1024xf32, #tpu.memory_space<hbm>>)
    } else {
    }
    %not3A_61 = arith.constant true
    %not3A_62 = arith.xori %lt3A_1, %not3A_61 : i1
    %convert_element_type3A_63 = arith.extui %not3A_62 : i1 to i32
    %cond3A_64 = arith.constant 0 : i32
    %cond3A_65 = arith.cmpi ne, %convert_element_type3A_63, %cond3A_64 : i32
    scf.if %cond3A_65 {
      %dma_wait3A = arith.constant 0 : i32
      %dma_wait3A_66 = arith.constant 0 : i32
      %dma_wait3A_67 = tpu.memref_slice %arg6[%dma_wait3A, %dma_wait3A_66] : memref<32x1024xf32, #tpu.memory_space<vmem>> -> memref<24x1024xf32, #tpu.memory_space<vmem>>
      %dma_wait3A_68 = arith.constant 15360 : i32
      %dma_wait3A_69 = tpu.memref_slice %arg3[%select_n3A, %dma_wait3A_68] : memref<1000x16384xf32, #tpu.memory_space<hbm>> -> memref<24x1024xf32, #tpu.memory_space<hbm>>
      %dma_wait3A_70 = arith.constant 15360 : i32
      %dma_wait3A_71 = tpu.memref_slice %arg3[%select_n3A, %dma_wait3A_70] : memref<1000x16384xf32, #tpu.memory_space<hbm>> -> memref<24x1024xf32, #tpu.memory_space<hbm>>
      %dma_wait3A_72 = arith.constant 0 : i32
      %dma_wait3A_73 = arith.constant 0 : i32
      %dma_wait3A_74 = tpu.memref_slice %arg6[%dma_wait3A_72, %dma_wait3A_73] : memref<32x1024xf32, #tpu.memory_space<vmem>> -> memref<24x1024xf32, #tpu.memory_space<vmem>>
      tpu.wait_dma2 semaphore(%arg8 : memref<!tpu.dma_semaphore, #tpu.memory_space<semaphore_mem>>) src(%dma_wait3A_74 : memref<24x1024xf32, #tpu.memory_space<vmem>>) dst(%dma_wait3A_71 : memref<24x1024xf32, #tpu.memory_space<hbm>>)
    } else {
    }
    return
  }
}

</mosaic_0001>

<sc_bundles>
// kernel: kernel.3.cloned.1.call-start
scs
__scs_entry_jumppad:
0x0: {  	(pc) =	sbr.rel $0x88, $3  }
0x1: {  	(tag) =	ssettag $0x0;
	lr =	simm.s32 $0x1  }
0x2: {  	[smem:$0x3FA0] =	sst lr;
	_ =	strace $0xD0000000  }
0x3: {  	_ = 	snop  }
0x4: {  	_ = 	snop  }
0x5: {  	_ = 	snop  }
0x6: {  	_ = 	snop  }
0x7: {  	_ = 	snop  }
__scs_overlays_trampoline_lowered:
0x8: {  	[smem:$0x3FAF] =	sst s0  }
0x9: {  	[smem:$0x3FB0] =	sst s1  }
0xa: {  	[smem:$0x3FB1] =	sst s2  }
0xb: {  	[smem:$0x3FB2] =	sst s3  }
0xc: {  	[smem:$0x3FB3] =	sst s4  }
0xd: {  	[smem:$0x3FB4] =	sst s5  }
0xe: {  	[smem:$0x3FB5] =	sst s6  }
0xf: {  	[smem:$0x3FB6] =	sst s7  }
0x10: {  	[smem:$0x3FB7] =	sst s8  }
0x11: {  	[smem:$0x3FB8] =	sst s9;
	s0 =	simm.s32 @!p0 $0x0  }
0x12: {  	s1 =	sld [smem:$0x3F9E];
	s0 =	simm.s32 @p0 $0x1  }
0x13: {  	[smem:$0x3FB9] =	sst s0;
	s0 =	simm.s32 @!p1 $0x0  }
0x14: {  	s2 =	sld [smem:$0x3F9D];
	s0 =	simm.s32 @p1 $0x1  }
0x15: {  	[smem:$0x3FBA] =	sst s0;
	s0 =	simm.s32 @!p2 $0x0  }
0x16: {  	s3 =	sld [smem:$0x3FDB];
	s0 =	simm.s32 @p2 $0x1  }
0x17: {  	s4 =	simm.s32 $0x1BF5;
	[smem:$0x3FBC] =	sst s0  }
0x18: {  	s0 =	sld [smem:$0x3F9F];
	_ =	swait.ge [sflag:s4], $0x0  }
0x19: {  	s7 =	sld [smem:$0x3FA0]  }
0x1a: {  	s8 =	sadd.s32 $0xFFFFE003, lr  }
0x1b: {  	s9 =	sadd.s32 $0xFFFFFEF7, lr;
	s5 =	simm.s32 $0xFFFFFFFF;
	p2 =	slt.u32 s8, $0xFFFFF086  }
0x1c: {  	p1 =	slt.u32 s9, $0xF7A;
	s5 =	simm.s32 @!p2 $0x0  }
0x1d: {  	s5 =	simm.s32 @p1 $0x1;
	p0 =	seq.s32 s7, s2  }
0x1e: {  	s7 =	smul.u32 @!p0 $0xF7A, s2;
	p2 =	seq.s32 @!p0 s5, $0x0  }
0x1f: {  	s9 =	smul.u32 $0xF7A, s1;
	s8 =	simm.s32 @!p0 $0x1BF5;
	p2 =	por !p2, p0  }
0x20: {  	[sflag:s8] =	ssyncset.s32 @!p0 $0xFFFFF086;
	s6 =	sadd.s32 @!p0 s3, s7;
	s7 =	simm.s32 @!p0 $0x108  }
0x21: {  	s3 =	sadd.s32 s3, s9;
	s6 =	sadd.s32 @!p0 $0x88, s6;
	s7 =	simm.s32 @p2 $0x1082  }
0x22: {  	[simem:s7], [sflag:s8] =	dma.local @!p0 [hbm:s6], $0xF7A  }
0x23: {  	s9 =	sor.u32 $0xD0000000, s2;
	s6 =	simm.s32 $0x108;
	_ =	swait.ge @!p0 [sflag:s8], $0x0  }
0x24: {  	s3 =	sadd.s32 $0x88, s3;
	s6 =	simm.s32 @!p1 $0x1082;
	[sflag:s4] =	ssyncset.s32 $0xFFFFF086  }
0x25: {  	[simem:s6], [sflag:s4] =	dma.local [hbm:s3], $0xF7A  }
0x26: {  	[smem:$0x3FA0] =	sst s1;
	(tag) =	ssettag s2;
	_ =	strace s9  }
0x27: {  	s1 =	sld [smem:$0x3FB0]  }
0x28: {  	s2 =	sld [smem:$0x3FB1]  }
0x29: {  	s4 =	sld [smem:$0x3FB3]  }
0x2a: {  	p0 =	seq.s32 s5, $0x0;
	s5 =	sld [smem:$0x3FB4]  }
0x2b: {  	s6 =	sld [smem:$0x3FB5]  }
0x2c: {  	s7 =	sld [smem:$0x3FB6]  }
0x2d: {  	s3 =	simm.s32 $0x108;
	s8 =	sld [smem:$0x3FB7]  }
0x2e: {  	s3 =	simm.s32 @!p0 $0x1082;
	s9 =	sld [smem:$0x3FB8]  }
0x2f: {  	lr =	sadd.s32 s0, s3;
	s0 =	sld [smem:$0x3FAF]  }
0x30: {  	s3 =	sld [smem:$0x3FB2]  }
0x31: {  	[smem:$0x3FBB] =	sst s10  }
0x32: {  	s10 =	sld [smem:$0x3FB9];
	_ =	sdelay $0x3  }
0x33: {  	p0 =	seq.s32 s10, $0x1;
	s10 =	sld [smem:$0x3FBB];
	_ =	sdelay $0x3  }
0x34: {  	[smem:$0x3FBB] =	sst s10  }
0x35: {  	s10 =	sld [smem:$0x3FBA];
	_ =	sdelay $0x3  }
0x36: {  	p1 =	seq.s32 s10, $0x1;
	s10 =	sld [smem:$0x3FBB];
	_ =	sdelay $0x3  }
0x37: {  	[smem:$0x3FBB] =	sst s10  }
0x38: {  	s10 =	sld [smem:$0x3FBC]  }
0x39: {  	_ = 	snop;
	(pc) =	sbr.ind lr, $3  }
0x3a: {  	_ = 	snop  }
0x3b: {  	_ = 	snop  }
0x3c: {  	p2 =	seq.s32 s10, $0x1;
	s10 =	sld [smem:$0x3FBB]  }
0x3d: {  	_ =	shalt  }
0x3e: {  	_ =	shalt  }
0x3f: {  	_ =	shalt  }
0x40: {  	_ =	shalt  }
0x41: {  	_ =	shalt  }
0x42: {  	_ =	shalt  }
0x43: {  	_ =	shalt  }
0x44: {  	_ =	shalt  }
0x45: {  	_ =	shalt  }
0x46: {  	_ =	shalt  }
0x47: {  	_ =	shalt  }
0x48: {  	_ =	shalt  }
0x49: {  	_ =	shalt  }
0x4a: {  	_ =	shalt  }
0x4b: {  	_ =	shalt  }
0x4c: {  	_ =	shalt  }
0x4d: {  	_ =	shalt  }
0x4e: {  	_ =	shalt  }
0x4f: {  	_ =	shalt  }
0x50: {  	_ =	shalt  }
0x51: {  	_ =	shalt  }
0x52: {  	_ =	shalt  }
0x53: {  	_ =	shalt  }
0x54: {  	_ =	shalt  }
0x55: {  	_ =	shalt  }
0x56: {  	_ =	shalt  }
0x57: {  	_ =	shalt  }
0x58: {  	_ =	shalt  }
0x59: {  	_ =	shalt  }
0x5a: {  	_ =	shalt  }
0x5b: {  	_ =	shalt  }
0x5c: {  	_ =	shalt  }
0x5d: {  	_ =	shalt  }
0x5e: {  	_ =	shalt  }
0x5f: {  	_ =	shalt  }
0x60: {  	_ =	shalt  }
0x61: {  	_ =	shalt  }
0x62: {  	_ =	shalt  }
0x63: {  	_ =	shalt  }
0x64: {  	_ =	shalt  }
0x65: {  	_ =	shalt  }
0x66: {  	_ =	shalt  }
0x67: {  	_ =	shalt  }
0x68: {  	_ =	shalt  }
0x69: {  	_ =	shalt  }
0x6a: {  	_ =	shalt  }
0x6b: {  	_ =	shalt  }
0x6c: {  	_ =	shalt  }
0x6d: {  	_ =	shalt  }
0x6e: {  	_ =	shalt  }
0x6f: {  	_ =	shalt  }
0x70: {  	_ =	shalt  }
0x71: {  	_ =	shalt  }
0x72: {  	_ =	shalt  }
0x73: {  	_ =	shalt  }
0x74: {  	_ =	shalt  }
0x75: {  	_ =	shalt  }
0x76: {  	_ =	shalt  }
0x77: {  	_ =	shalt  }
0x78: {  	_ =	shalt  }
0x79: {  	_ =	shalt  }
0x7a: {  	_ =	shalt  }
0x7b: {  	_ =	shalt  }
0x7c: {  	_ =	shalt  }
0x7d: {  	_ =	shalt  }
0x7e: {  	_ =	shalt  }
0x7f: {  	_ =	shalt  }
0x80: {  	_ =	shalt  }
0x81: {  	_ =	shalt  }
0x82: {  	_ =	shalt  }
0x83: {  	_ =	shalt  }
0x84: {  	_ =	shalt  }
0x85: {  	_ =	shalt  }
0x86: {  	_ =	shalt  }
0x87: {  	_ =	shalt  }
.Lfunc_end0:
.L_simem_size_0:
called_computation_lowered:
.L_overlay_start_0:
0x88: {  	s2 =	sld [smem:$0x3FD9]  }
0x89: {  	s3 =	sld [smem:$0x3FFE];
	_ =	sdelay $0x1  }
0x8a: {  	s1 =	srdreg.scid  }
0x8b: {  	s0 =	sand.u32 $0x1, s1  }
0x8c: {  	s18 =	sshll.u32 s0, $0xA;
	s2 =	sadd.s32 s3, s2  }
0x8d: {  	s2 =	sadd.s32 s2, s18  }
0x8e: {  	[smem:$0x3FC7] =	sst s2  }
0x8f: {  	_ = 	snop  }
0x90: {  	s2 =	sld [smem:$0x3FC9]  }
0x91: {  	s19 =	sld [smem:$0x3FD0];
	(tm) =	ssettm $0x1  }
0x92: {  	s4 =	sld [smem:$0x3FFB];
	_ =	sdelay $0x3  }
0x93: {  	_ =	strace s4  }
0x94: {  	s4 =	sld [smem:$0x3FFC];
	_ =	sdelay $0x3  }
0x95: {  	_ =	strace s4  }
0x96: {  	s4 =	sld [smem:$0x3FFD];
	_ =	sdelay $0x3  }
0x97: {  	_ =	strace s4  }
0x98: {  	_ =	strace $0x8FFFFFFF  }
0x99: {  	s20 =	sld [smem:$0x3FDB];
	_ =	sdelay $0x1  }
0x9a: {  	s5 =	simm.s32 $_scs_section_size  }
0x9b: {  	s6 =	simm.s32 $_size__tile_overlayer_lowered;
	s7 =	simm.s32 $_tile_overlayer_lowered  }
0x9c: {  	s23 =	simm.s32 $0x1BFF;
	s22 =	sshll.u32 s7, $0x1;
	s4 =	sadd.s32 s5, s20  }
0x9d: {  	s8 =	simm.s32 $0x0;
	s21 =	sshll.u32 s6, $0x1;
	s6 =	sadd.s32 s22, s4  }
0x9e: {  	[timem:s8], [sflag:s23] =	dma.local [hbm:s6], s21  }
0x9f: {  	_ =	swait.ge [sflag:s23], s21  }
0xa0: {  	s5 =	ssub.s32 $0x0, s21;
	[sflag:s23] =	ssyncset.done $0x0  }
0xa1: {  	[sflag:s23] =	ssyncadd.s32 s5;
	_ =	sdelay $0x1  }
0xa2: {  	s24 =	simm.s32 $0x1B8B  }
0xa3: {  	_ =	swait.ge [sflag:s24], $0x1  }
0xa4: {  	[sflag:s24] =	ssyncset.done $0x0  }
0xa5: {  	s25 =	simm.s32 $0x1B8E;
	[sflag:s24] =	ssyncadd.s32 $0xFFFFFFFF  }
0xa6: {  	s26 =	simm.s32 $execute0_lowered;
	[smem:$0x3FD2] =	sst s25  }
0xa7: {  	s5 =	sshll.u32 s26, $0x1;
	_ =	strace $0x80000046;
	[dreg:$0x1] =	wrdreg $0xFFFFFFFF  }
0xa8: {  	s28 =	simm.s32 $_size_execute0_lowered;
	s4 =	sadd.s32 s4, s5;
	[dreg:$0x0] =	wrdreg $0x0  }
0xa9: {  	s5 =	sshll.u32 s28, $0x1;
	[dreg:$0x2] =	wrdreg s4  }
0xaa: {  	[dreg:$0x3] =	wrdreg s5  }
0xab: {  	[dreg:$0x4] =	wrdreg $0xC0  }
0xac: {  	_ =	task [dreg:s8], $0x5FFFF  }
0xad: {  	[dreg:$0x1] =	wrdreg $0xFFFFFFFF  }
0xae: {  	[dreg:$0x0] =	wrdreg $0x60  }
0xaf: {  	[dreg:$0x2] =	wrdreg s2  }
0xb0: {  	[dreg:$0x3] =	wrdreg s19  }
0xb1: {  	[dreg:$0x4] =	wrdreg $0x9  }
0xb2: {  	_ =	task.clear_ibuf [dreg:s8], $0x5FFFF;
	_ =	strace $0x90000046  }
0xb3: {  	s29 =	simm.s32 $0x9;
	_ =	strace $0x80000048  }
0xb4: {  	_ =	swait.ge [sflag:s29], $0x1  }
0xb5: {  	[sflag:s29] =	ssyncadd.s32 $0xFFFFFFFF  }
0xb6: {  	_ =	strace $0x90000048  }
0xb7: {  	_ =	sfence  }
0xb8: {  	s30 =	sld [smem:$0x0];
	_ =	sdelay $0x2  }
0xb9: {  	s31 =	sshll.u32 s1, $0xD;
	s1 =	sshrl.u32 s1, $0x2  }
0xba: {  	s3 =	sand.u32 $0x4000, s31;
	s1 =	sadd.s32 s1, s30  }
0xbb: {  	s0 =	sor.u32 s3, s0;
	s1 =	sshll.u32 s1, $0x11  }
0xbc: {  	s0 =	sor.u32 s1, s0  }
0xbd: {  	s0 =	sadd.s32 $0x8F2B, s0  }
0xbe: {  	[sflag:s0] =	ssyncadd.remote.s32 $0x1  }
0xbf: {  	_ =	sfence.sel $0xFFFF  }
0xc0: {  	[dreg:$0x0] =	wrdreg $0xFFFFFFFF;
	(pc) =	sbr.abs _section_cstart, $3  }
0xc1: {  	[dreg:$0x1] =	wrdreg $0xFFFFFFFF  }
0xc2: {  	_ =	task.clear_ibuf [dreg:s8], $0x2FFFF;
	_ =	strace $0x9FFFFFFF  }
0xc3: {  	(tm) =	ssettm $0x7FFFFFFF  }
tec
execute0_lowered:
.L_overlay_start_1:
0x0: {  	(tag) =	ssettag $0x1  }
0x1: {  	s2 =	rddreg [dreg:$0x0]  }
0x2: {  	s3 =	rddreg [dreg:$0x1]  }
0x3: {  	s0 =	srdreg.scid;
	s1 =	stileid.u32;
	s4 =	simm.s32 $0x0  }
0x4: {  	s17 =	simm.s32 $0x18;
	s13 =	simm.s32 $0x3;
	s14 =	simm.s32 $0x4000  }
0x5: {  	s15 =	simm.s32 $0xC000;
	s18 =	simm.s32 $0x1;
	s19 =	simm.s32 $0x2  }
0x6: {  	s20 =	simm.s32 $0x0;
	s0 =	sand.u32 $0x1, s0;
	s1 =	sshll.u32 s1, $0x1  }
0x7: {  	[smem:$0x7FF] =	sst s4;
	s10 =	sadd.s32 $0x400, s3;
	s5 =	ssub.s32 $0x2, s0  }
0x8: {  	s0 =	sor.u32 s0, s1;
	_ =	strace $0x80000047;
	s31 =	sshrl.u32 s5, $0x1  }
0x9: {  	s6 =	smul.u32 $0x18, s0;
	p0 =	sgt.u32 s0, $0x1C;
	s9 =	sshll.u32 s0, $0x10  }
0xa: {  	p1 =	slt.u32 s0, $0x1D;
	s1 =	ssub.s32 s5, s31;
	s5 =	sshll.u32 s0, $0x5  }
.Ltmp0:
0xb: {  	s17 =	simm.s32 @!p0 $0x20;
	s7 =	sadd.s32 s3, s9;
	(pc) =	sbr.rel .LBB2_1-.Ltmp0, $4  }
0xc: {  	s9 =	sadd.s32 s9, s10;
	s6 =	sadd.s32 $0xE8, s6;
	s16 =	smov.u32 s5  }
0xd: {  	s12 =	smax.u32 s1, $0x1;
	s16 =	smov.u32 @p0 s6;
	s8 =	sshll.u32 s6, $0xB  }
0xe: {  	v2 =	vimm.f32 $0.0e+00;
	v1 =	vmov s17;
	s17 =	simm.s32 $0x20000;
	s8 =	sadd.s32 s3, s8;
	s11 =	sshll.u32 s16, $0xB  }
0xf: {  	v3 =	vlaneseq.u32;
	v4 =	vimm.f32 $1.000000000e+00;
	v0 =	vmov s16;
	s16 =	simm.s32 $0x2000;
	s10 =	sadd.s32 s11, s10;
	s11 =	sadd.s32 s3, s11  }
.LBB2_20:
0x10: {  	_ =	swait.ge [sflag:s18], $0x8000  }
0x11: {  	[sflag:s18] =	ssyncset.done $0x0  }
0x12: {  	[sflag:s18] =	ssyncadd.s32 $0xFFFF8000  }
0x13: {  	_ =	swait.ge [sflag:s19], $0x8000  }
0x14: {  	[sflag:s19] =	ssyncset.done $0x0  }
0x15: {  	[sflag:s19] =	ssyncadd.s32 $0xFFFF8000  }
.LBB2_21:
0x16: {  	s20 =	sadd.s32 $0x1, s20  }
0x17: {  	p2 =	sne.s32 s20, s12  }
.Ltmp1:
0x18: {  	_ = 	snop;
	(pc) =	sbr.rel @!p2 .LBB2_22-.Ltmp1, $1  }
0x19: {  	_ =	sdelay $0x3  }
.LBB2_1:
0x1a: {  	[tilespmem:s4], [sflag:$0x3] =	stream.linear.gather [hbm4b:s2+s4], $0x4000, $0x38;
	[tilespmem:$0x14000] =	vst v63  }
0x1b: {  	s0 =	sand.u32 $0x70, s4;
	s1 =	simm.s32 $0x0;
	s21 =	sand.u32 $0x1C00, s4  }
0x1c: {  	s22 =	simm.s32 $0x0;
	s1 =	sand.u32 $0x6000, s1;
	s0 =	sor.u32 s21, s0  }
0x1d: {  	s31 =	sand.u32 $0x380, s22;
	s0 =	sor.u32 s1, s0  }
0x1e: {  	s24 =	sor.u32 s31, s0  }
0x1f: {  	s23 =	simm.s32 $0x0;
	s21 =	simm.s32 $0x1;
	s22 =	simm.s32 $0x10;
	[tilespmem:s24+$0xC000] =	vst v2  }
.LBB2_2:
0x20: {  	s0 =	sand.u32 $0x70, s22;
	s1 =	sshll.u32 s21, $0x4  }
0x21: {  	[tilespmem:s24+$0x4000] =	vst v2;
	s23 =	sadd.s32 $0x80, s23;
	s24 =	smov.u32 s21;
	p2 =	sne.s32 s21, $0x7FF  }
.Ltmp2:
0x22: {  	s21 =	sadd.s32 $0x1, s21;
	s25 =	sand.u32 $0x1C00, s23;
	(pc) =	sbr.rel @p2 .LBB2_2-.Ltmp2, $4  }
0x23: {  	s1 =	sand.u32 $0x6000, s1;
	s24 =	sshll.u32 s24, $0x1;
	s0 =	sor.u32 s25, s0  }
0x24: {  	s24 =	sand.u32 $0x380, s24;
	s0 =	sor.u32 s1, s0  }
0x25: {  	s24 =	sor.u32 s24, s0  }
0x26: {  	s22 =	sadd.s32 $0x10, s22;
	[tilespmem:s24+$0xC000] =	vst v2  }
0x27: {  	[tilespmem:s24+$0x4000] =	vst v2  }
0x28: {  	_ =	swait.ge [sflag:s13], $0x4000  }
0x29: {  	[sflag:s13] =	ssyncset.done $0x0  }
0x2a: {  	s21 =	simm.s32 $0x0;
	[sflag:s13] =	ssyncadd.s32 $0xFFFFC000  }
0x2b: {  	v5 =	vld [tilespmem:s21+$0x0]  }
0x2c: {  	s22 =	simm.s32 $0x10;
	s23 =	simm.s32 $0x0  }
.LBB2_4:
0x2d: {  	p2 =	sne.s32 s22, $0x3F0  }
0x2e: {  	v6 =	vmov s21  }
0x2f: {  	v7 =	vor.u32 s21, v3;
	s21 =	smov.u32 s22;
	v6 =	vshll.u32 v6, $0x3  }
0x30: {  	v7 =	vand.u32 $0x7F, v7;
	v6 =	vand.u32 $0x1C00, v6;
	v8 =	vsub.s32 v5, v0  }
0x31: {  	v5 =	vshll.u32 v5, $0x7;
	v6 =	vor.u32 v6, v7;
	vm0 =	vgt.s32 v8, $0xFFFFFFFF  }
0x32: {  	vm1 =	vlt.s32 v8, v1;
	v7 =	vshll.u32 v8, $0xA;
	v5 =	vand.u32 $0x380, v5  }
0x33: {  	vm0 =	vmand vm0, vm1;
	v7 =	vand.u32 $0xFFFFE000, v7;
	v5 =	vor.u32 v5, v6  }
0x34: {  	v5 =	vor.u32 v7, v5;
	_ =	sdelay $0x2  }
.Ltmp3:
0x35: {  	(pc) =	sbr.rel @p2 .LBB2_4-.Ltmp3, $4  }
0x36: {  	_ = 	snop  }
0x37: {  	s23 =	sadd.s32 $0x10, s23;
	[tilespmem:v5+s14+$0x0] =	vst.idx.msk vm0, v4  }
0x38: {  	v5 =	vld [tilespmem:s23+$0x0]  }
0x39: {  	s22 =	sadd.s32 $0x10, s22  }
0x3a: {  	_ = 	snop  }
0x3b: {  	v6 =	vmov s21  }
0x3c: {  	v7 =	vor.u32 s21, v3;
	v6 =	vshll.u32 v6, $0x3  }
0x3d: {  	v7 =	vand.u32 $0x7F, v7;
	v6 =	vand.u32 $0x1C00, v6;
	v8 =	vsub.s32 v5, v0  }
0x3e: {  	v5 =	vshll.u32 v5, $0x7;
	v6 =	vor.u32 v6, v7;
	vm0 =	vgt.s32 v8, $0xFFFFFFFF  }
0x3f: {  	vm1 =	vlt.s32 v8, v1;
	v7 =	vshll.u32 v8, $0xA;
	v5 =	vand.u32 $0x380, v5  }
0x40: {  	vm0 =	vmand vm0, vm1;
	v7 =	vand.u32 $0xFFFFE000, v7;
	v5 =	vor.u32 v5, v6  }
0x41: {  	v5 =	vor.u32 v7, v5;
	_ =	sdelay $0x4  }
0x42: {  	s0 =	simm.s32 @p0 $0x2000;
	s1 =	simm.s32 @p0 $0x20000;
	s21 =	simm.s32 @p0 $0x4000;
	[tilespmem:v5+s14+$0x0] =	vst.idx.msk vm0, v4  }
0x43: {  	[hbm4b:s8+s0] =	stream.strided.scatter @p0 [tilespmem:s21], [sflag:$0x1], $0x6000, s1, s0, $0x38;
	[tilespmem:$0x14000] =	vst v63  }
0x44: {  	s0 =	simm.s32 @!p0 $0x2000;
	s1 =	simm.s32 @!p0 $0x20000;
	s21 =	simm.s32 @!p0 $0x4000  }
0x45: {  	[hbm4b:s7+s0] =	stream.strided.scatter @!p0 [tilespmem:s21], [sflag:$0x1], $0x8000, s1, s0, $0x38;
	[tilespmem:$0x14000] =	vst v63  }
0x46: {  	s21 =	simm.s32 $0x0  }
0x47: {  	s31 =	sand.u32 $0x3F0, s21  }
0x48: {  	s22 =	simm.s32 $0x10;
	v5 =	vld [tilespmem:s31+$0x400]  }
.LBB2_6:
0x49: {  	p2 =	sne.s32 s22, $0x3F0;
	_ =	sdelay $0x1  }
0x4a: {  	v6 =	vmov s21  }
0x4b: {  	v7 =	vor.u32 s21, v3;
	s21 =	smov.u32 s22;
	v6 =	vshll.u32 v6, $0x3  }
0x4c: {  	v7 =	vand.u32 $0x7F, v7;
	v6 =	vand.u32 $0x1C00, v6;
	v8 =	vsub.s32 v5, v0  }
0x4d: {  	v6 =	vor.u32 v6, v7;
	v5 =	vshll.u32 v5, $0x7;
	vm0 =	vgt.s32 v8, $0xFFFFFFFF  }
0x4e: {  	vm1 =	vlt.s32 v8, v1;
	v7 =	vshll.u32 v8, $0xA;
	v5 =	vand.u32 $0x380, v5  }
0x4f: {  	vm0 =	vmand vm0, vm1;
	v7 =	vand.u32 $0xFFFFE000, v7;
	v5 =	vor.u32 v5, v6  }
0x50: {  	v5 =	vor.u32 v7, v5;
	_ =	sdelay $0x1  }
.Ltmp4:
0x51: {  	(pc) =	sbr.rel @p2 .LBB2_6-.Ltmp4, $3  }
0x52: {  	_ =	sdelay $0x1  }
0x53: {  	s0 =	sand.u32 $0x3F0, s22;
	[tilespmem:v5+s15+$0x0] =	vst.idx.msk vm0, v4  }
0x54: {  	s22 =	sadd.s32 $0x10, s22;
	v5 =	vld [tilespmem:s0+$0x400]  }
0x55: {  	_ =	sdelay $0x1  }
0x56: {  	v6 =	vmov s21  }
0x57: {  	v7 =	vor.u32 s21, v3;
	v6 =	vshll.u32 v6, $0x3  }
0x58: {  	v7 =	vand.u32 $0x7F, v7;
	v6 =	vand.u32 $0x1C00, v6;
	v8 =	vsub.s32 v5, v0  }
0x59: {  	v6 =	vor.u32 v6, v7;
	v5 =	vshll.u32 v5, $0x7;
	vm0 =	vgt.s32 v8, $0xFFFFFFFF  }
0x5a: {  	vm1 =	vlt.s32 v8, v1;
	v7 =	vshll.u32 v8, $0xA;
	v5 =	vand.u32 $0x380, v5  }
0x5b: {  	vm0 =	vmand vm0, vm1;
	v7 =	vand.u32 $0xFFFFE000, v7;
	v5 =	vor.u32 v5, v6  }
0x5c: {  	v5 =	vor.u32 v7, v5;
	_ =	sdelay $0x3  }
0x5d: {  	s0 =	simm.s32 @p0 $0x2000  }
.Ltmp5:
0x5e: {  	s1 =	simm.s32 @p0 $0x20000;
	s21 =	simm.s32 @p0 $0xC000;
	[tilespmem:v5+s15+$0x0] =	vst.idx.msk vm0, v4;
	(pc) =	sbr.rel .LBB2_8-.Ltmp5, $4  }
0x5f: {  	[hbm4b:s10+s0] =	stream.strided.scatter @p0 [tilespmem:s21], [sflag:$0x2], $0x6000, s1, s0, $0x38;
	[tilespmem:$0x14000] =	vst v63  }
0x60: {  	s0 =	simm.s32 @!p0 $0x2000;
	s1 =	simm.s32 @!p0 $0x20000;
	s21 =	simm.s32 @!p0 $0xC000  }
0x61: {  	[hbm4b:s9+s0] =	stream.strided.scatter @!p0 [tilespmem:s21], [sflag:$0x2], $0x8000, s1, s0, $0x38;
	[tilespmem:$0x14000] =	vst v63  }
0x62: {  	s21 =	simm.s32 $0x1  }
.LBB2_19:
0x63: {  	p2 =	sne.s32 s21, $0x8  }
.Ltmp6:
0x64: {  	_ = 	snop;
	(pc) =	sbr.rel @!p2 .LBB2_20-.Ltmp6, $3  }
0x65: {  	_ =	sdelay $0x1  }
0x66: {  	s0 =	sadd.s32 s22, s7  }
0x67: {  	[hbm4b:s0+s16] =	stream.strided.scatter [tilespmem:s15], [sflag:$0x2], $0x8000, s17, s16, $0x38;
	[tilespmem:$0x14000] =	vst v63  }
.LBB2_8:
0x68: {  	s0 =	simm.s32 @p0 $0x1  }
0x69: {  	_ =	swait.ge @p0 [sflag:s0], $0x6000  }
0x6a: {  	s23 =	sshll.u32 s21, $0xB;
	s1 =	simm.s32 @!p0 $0x1;
	[sflag:s0] =	ssyncset.done @p0 $0x0  }
0x6b: {  	s22 =	sand.u32 $0x3FFFF800, s23;
	[sflag:s0] =	ssyncadd.s32 @p0 $0xFFFFA000;
	s0 =	simm.s32 $0x0  }
0x6c: {  	s29 =	sadd.s32 $0xFFFFF800, s22;
	_ =	swait.ge @!p0 [sflag:s1], $0x8000;
	s25 =	sand.u32 $0x380, s0  }
0x6d: {  	s26 =	sand.u32 $0x70, s0;
	[sflag:s1] =	ssyncset.done @!p0 $0x0;
	s23 =	sadd.s32 s25, s29  }
0x6e: {  	[sflag:s1] =	ssyncadd.s32 @!p0 $0xFFFF8000;
	s24 =	sadd.s32 s26, s23  }
0x6f: {  	v5 =	vld [tilespmem:s24+$0x0];
	_ =	sdelay $0x2  }
0x70: {  	v6 =	vmov s0  }
0x71: {  	v7 =	vor.u32 s0, v3;
	v6 =	vshll.u32 v6, $0x3  }
0x72: {  	v7 =	vand.u32 $0x7F, v7;
	v6 =	vand.u32 $0x1C00, v6;
	v8 =	vsub.s32 v5, v0  }
0x73: {  	v9 =	vshll.u32 v5, $0x7;
	v5 =	vor.u32 v6, v7;
	vm0 =	vgt.s32 v8, $0xFFFFFFFF  }
0x74: {  	v6 =	vshll.u32 v8, $0xA;
	v7 =	vand.u32 $0x380, v9;
	vm1 =	vlt.s32 v8, v1  }
0x75: {  	v6 =	vand.u32 $0xFFFFE000, v6;
	v7 =	vor.u32 v7, v5;
	vm0 =	vmand vm0, vm1  }
0x76: {  	v6 =	vor.u32 v6, v7;
	_ =	sdelay $0x1  }
0x77: {  	s24 =	simm.s32 $0x10  }
0x78: {  	s31 =	simm.s32 $0x20;
	s30 =	simm.s32 $0x10;
	s28 =	sand.u32 $0x380, s24  }
0x79: {  	s23 =	sshll.u32 s21, $0x1;
	s0 =	sand.u32 $0x70, s24;
	s1 =	sadd.s32 s28, s29  }
.LBB2_9:
0x7a: {  	p2 =	sne.s32 s31, $0x3F0;
	s0 =	sadd.s32 s0, s1;
	[tilespmem:v6+s14+$0x0] =	vst.idx.msk vm0, v2  }
0x7b: {  	v6 =	vld [tilespmem:s0+$0x0];
	_ =	sdelay $0x2  }
0x7c: {  	v7 =	vmov s30  }
0x7d: {  	v8 =	vor.u32 s30, v3;
	s30 =	smov.u32 s31;
	v7 =	vshll.u32 v7, $0x3  }
0x7e: {  	v8 =	vand.u32 $0x7F, v8;
	v7 =	vand.u32 $0x1C00, v7;
	v9 =	vsub.s32 v6, v0  }
0x7f: {  	v7 =	vor.u32 v7, v8;
	v6 =	vshll.u32 v6, $0x7;
	vm0 =	vgt.s32 v9, $0xFFFFFFFF  }
0x80: {  	vm1 =	vlt.s32 v9, v1;
	v8 =	vshll.u32 v9, $0xA;
	v6 =	vand.u32 $0x380, v6  }
0x81: {  	vm0 =	vmand vm0, vm1;
	v8 =	vand.u32 $0xFFFFE000, v8;
	v6 =	vor.u32 v6, v7  }
.Ltmp7:
0x82: {  	v6 =	vor.u32 v8, v6;
	(pc) =	sbr.rel @p2 .LBB2_9-.Ltmp7, $3  }
0x83: {  	_ =	sdelay $0x1  }
0x84: {  	s1 =	sand.u32 $0x380, s31  }
0x85: {  	s31 =	sadd.s32 $0x10, s31;
	s0 =	sand.u32 $0x70, s30;
	s1 =	sadd.s32 s1, s29  }
0x86: {  	_ =	sdelay $0x4  }
0x87: {  	s0 =	sadd.s32 s0, s1;
	[tilespmem:v6+s14+$0x0] =	vst.idx.msk vm0, v2  }
0x88: {  	v6 =	vld [tilespmem:s0+$0x0];
	_ =	sdelay $0x2  }
0x89: {  	v7 =	vmov s30  }
0x8a: {  	v8 =	vor.u32 s30, v3;
	v7 =	vshll.u32 v7, $0x3  }
0x8b: {  	v8 =	vand.u32 $0x7F, v8;
	v7 =	vand.u32 $0x1C00, v7;
	v9 =	vsub.s32 v6, v0  }
0x8c: {  	v7 =	vor.u32 v7, v8;
	v6 =	vshll.u32 v6, $0x7;
	vm0 =	vgt.s32 v9, $0xFFFFFFFF  }
0x8d: {  	vm1 =	vlt.s32 v9, v1;
	v62 =	vshll.u32 v9, $0xA;
	v6 =	vand.u32 $0x380, v6  }
0x8e: {  	vm0 =	vmand vm0, vm1;
	v8 =	vand.u32 $0xFFFFE000, v62;
	v6 =	vor.u32 v6, v7  }
0x8f: {  	v6 =	vor.u32 v8, v6;
	_ =	sdelay $0x3  }
0x90: {  	s31 =	sadd.s32 s25, s22  }
0x91: {  	s0 =	sadd.s32 s26, s31;
	[tilespmem:v6+s14+$0x0] =	vst.idx.msk vm0, v2  }
0x92: {  	v6 =	vld [tilespmem:s0+$0x0];
	_ =	sdelay $0x4  }
0x93: {  	v7 =	vsub.s32 v6, v0  }
0x94: {  	v6 =	vshll.u32 v6, $0x7;
	vm0 =	vgt.s32 v7, $0xFFFFFFFF  }
0x95: {  	v63 =	vshll.u32 v7, $0xA;
	v6 =	vand.u32 $0x380, v6;
	vm1 =	vlt.s32 v7, v1  }
0x96: {  	v7 =	vand.u32 $0xFFFFE000, v63;
	v5 =	vor.u32 v6, v5;
	vm0 =	vmand vm0, vm1  }
0x97: {  	v5 =	vor.u32 v7, v5;
	_ =	sdelay $0x3  }
0x98: {  	s1 =	sadd.s32 s28, s22;
	s25 =	simm.s32 $0x20;
	s0 =	sand.u32 $0x70, s24  }
.LBB2_11:
0x99: {  	p2 =	sne.s32 s25, $0x3F0;
	s0 =	sadd.s32 s0, s1;
	[tilespmem:v5+s14+$0x0] =	vst.idx.msk vm0, v4  }
0x9a: {  	v5 =	vld [tilespmem:s0+$0x0];
	_ =	sdelay $0x2  }
0x9b: {  	v6 =	vmov s24  }
0x9c: {  	v7 =	vor.u32 s24, v3;
	s24 =	smov.u32 s25;
	v6 =	vshll.u32 v6, $0x3  }
0x9d: {  	v7 =	vand.u32 $0x7F, v7;
	v6 =	vand.u32 $0x1C00, v6;
	v8 =	vsub.s32 v5, v0  }
0x9e: {  	v6 =	vor.u32 v6, v7;
	v5 =	vshll.u32 v5, $0x7;
	vm0 =	vgt.s32 v8, $0xFFFFFFFF  }
0x9f: {  	vm1 =	vlt.s32 v8, v1;
	v7 =	vshll.u32 v8, $0xA;
	v5 =	vand.u32 $0x380, v5  }
0xa0: {  	vm0 =	vmand vm0, vm1;
	v7 =	vand.u32 $0xFFFFE000, v7;
	v5 =	vor.u32 v5, v6  }
.Ltmp8:
0xa1: {  	v5 =	vor.u32 v7, v5;
	(pc) =	sbr.rel @p2 .LBB2_11-.Ltmp8, $3  }
0xa2: {  	_ =	sdelay $0x1  }
0xa3: {  	s1 =	sand.u32 $0x380, s25  }
0xa4: {  	s25 =	sadd.s32 $0x10, s25;
	s0 =	sand.u32 $0x70, s24;
	s1 =	sadd.s32 s1, s22  }
0xa5: {  	_ =	sdelay $0x4  }
0xa6: {  	s0 =	sadd.s32 s0, s1;
	[tilespmem:v5+s14+$0x0] =	vst.idx.msk vm0, v4  }
0xa7: {  	v5 =	vld [tilespmem:s0+$0x0];
	_ =	sdelay $0x2  }
0xa8: {  	v6 =	vmov s24  }
0xa9: {  	v7 =	vor.u32 s24, v3;
	v6 =	vshll.u32 v6, $0x3  }
0xaa: {  	v7 =	vand.u32 $0x7F, v7;
	v6 =	vand.u32 $0x1C00, v6;
	v8 =	vsub.s32 v5, v0  }
0xab: {  	v6 =	vor.u32 v6, v7;
	v5 =	vshll.u32 v5, $0x7;
	vm0 =	vgt.s32 v8, $0xFFFFFFFF  }
0xac: {  	vm1 =	vlt.s32 v8, v1;
	v7 =	vshll.u32 v8, $0xA;
	v5 =	vand.u32 $0x380, v5  }
0xad: {  	vm0 =	vmand vm0, vm1;
	v7 =	vand.u32 $0xFFFFE000, v7;
	v5 =	vor.u32 v5, v6  }
0xae: {  	v5 =	vor.u32 v7, v5;
	_ =	sdelay $0x2  }
0xaf: {  	s0 =	sadd.s32 @p0 s6, s21  }
0xb0: {  	s1 =	simm.s32 @p0 $0x2000;
	s0 =	sshll.u32 @p0 s0, $0xB  }
0xb1: {  	s24 =	simm.s32 @p0 $0x20000;
	s25 =	simm.s32 @p0 $0x4000;
	s0 =	sadd.s32 @p0 s3, s0;
	[tilespmem:v5+s14+$0x0] =	vst.idx.msk vm0, v4  }
0xb2: {  	[hbm4b:s0+s1] =	stream.strided.scatter @p0 [tilespmem:s25], [sflag:$0x1], $0x6000, s24, s1, $0x38;
	[tilespmem:$0x14000] =	vst v63  }
0xb3: {  	s0 =	simm.s32 @p0 $0x2  }
0xb4: {  	s1 =	sadd.s32 @!p0 s5, s21;
	s24 =	simm.s32 @!p0 $0x20000;
	_ =	swait.ge @p0 [sflag:s0], $0x6000  }
0xb5: {  	s25 =	simm.s32 @!p0 $0x4000;
	s1 =	sshll.u32 @!p0 s1, $0xB;
	[sflag:s0] =	ssyncset.done @p0 $0x0  }
0xb6: {  	[sflag:s0] =	ssyncadd.s32 @p0 $0xFFFFA000;
	s0 =	sadd.s32 @!p0 s3, s1;
	s1 =	simm.s32 @!p0 $0x2000  }
0xb7: {  	[hbm4b:s0+s1] =	stream.strided.scatter @!p0 [tilespmem:s25], [sflag:$0x1], $0x8000, s24, s1, $0x38;
	[tilespmem:$0x14000] =	vst v63  }
0xb8: {  	s28 =	simm.s32 $0x0;
	s0 =	simm.s32 @!p0 $0x2  }
0xb9: {  	s22 =	sadd.s32 $0xFFFFFC00, s22;
	s29 =	sand.u32 $0x380, s28;
	_ =	swait.ge @!p0 [sflag:s0], $0x8000  }
0xba: {  	s30 =	sand.u32 $0x70, s28;
	s1 =	sadd.s32 s29, s22;
	[sflag:s0] =	ssyncset.done @!p0 $0x0  }
0xbb: {  	s1 =	sadd.s32 s30, s1;
	[sflag:s0] =	ssyncadd.s32 @!p0 $0xFFFF8000  }
0xbc: {  	v5 =	vld [tilespmem:s1+$0x0];
	_ =	sdelay $0x2  }
0xbd: {  	v6 =	vmov s28  }
0xbe: {  	v7 =	vor.u32 s28, v3;
	v6 =	vshll.u32 v6, $0x3  }
0xbf: {  	v7 =	vand.u32 $0x7F, v7;
	v6 =	vand.u32 $0x1C00, v6;
	v63 =	vsub.s32 v5, v0  }
0xc0: {  	v6 =	vor.u32 v6, v7;
	v5 =	vshll.u32 v5, $0x7;
	vm0 =	vgt.s32 v63, $0xFFFFFFFF  }
0xc1: {  	v7 =	vshll.u32 v63, $0xA;
	v5 =	vand.u32 $0x380, v5;
	vm1 =	vlt.s32 v63, v1  }
0xc2: {  	v7 =	vand.u32 $0xFFFFE000, v7;
	v5 =	vor.u32 v5, v6;
	vm0 =	vmand vm0, vm1  }
0xc3: {  	v5 =	vor.u32 v7, v5;
	_ =	sdelay $0x1  }
0xc4: {  	s24 =	simm.s32 $0x10  }
0xc5: {  	s23 =	sor.u32 $0x1, s23;
	s31 =	sand.u32 $0x380, s24  }
0xc6: {  	s25 =	simm.s32 $0x20;
	s0 =	sand.u32 $0x70, s24;
	s1 =	sadd.s32 s31, s22  }
.LBB2_13:
0xc7: {  	p2 =	seq.s32 s25, $0x3F0;
	s0 =	sadd.s32 s0, s1;
	[tilespmem:v5+s15+$0x0] =	vst.idx.msk vm0, v2  }
0xc8: {  	v5 =	vld [tilespmem:s0+$0x0];
	_ =	sdelay $0x2  }
0xc9: {  	v6 =	vmov s24  }
0xca: {  	v7 =	vor.u32 s24, v3;
	s24 =	smov.u32 s25;
	v6 =	vshll.u32 v6, $0x3  }
0xcb: {  	v7 =	vand.u32 $0x7F, v7;
	v6 =	vand.u32 $0x1C00, v6;
	v8 =	vsub.s32 v5, v0  }
0xcc: {  	v6 =	vor.u32 v6, v7;
	v5 =	vshll.u32 v5, $0x7;
	vm0 =	vgt.s32 v8, $0xFFFFFFFF  }
0xcd: {  	vm1 =	vlt.s32 v8, v1;
	v7 =	vshll.u32 v8, $0xA;
	v5 =	vand.u32 $0x380, v5  }
0xce: {  	vm0 =	vmand vm0, vm1;
	v7 =	vand.u32 $0xFFFFE000, v7;
	v5 =	vor.u32 v5, v6  }
.Ltmp9:
0xcf: {  	v5 =	vor.u32 v7, v5;
	(pc) =	sbr.rel @!p2 .LBB2_13-.Ltmp9, $3  }
0xd0: {  	_ =	sdelay $0x1  }
0xd1: {  	s1 =	sand.u32 $0x380, s25  }
0xd2: {  	s25 =	sadd.s32 $0x10, s25;
	s0 =	sand.u32 $0x70, s24;
	s1 =	sadd.s32 s1, s22  }
0xd3: {  	_ =	sdelay $0x4  }
0xd4: {  	s0 =	sadd.s32 s0, s1;
	[tilespmem:v5+s15+$0x0] =	vst.idx.msk vm0, v2  }
0xd5: {  	v5 =	vld [tilespmem:s0+$0x0];
	_ =	sdelay $0x2  }
0xd6: {  	v6 =	vmov s24  }
0xd7: {  	v7 =	vor.u32 s24, v3;
	v6 =	vshll.u32 v6, $0x3  }
0xd8: {  	v7 =	vand.u32 $0x7F, v7;
	v6 =	vand.u32 $0x1C00, v6;
	v8 =	vsub.s32 v5, v0  }
0xd9: {  	v6 =	vor.u32 v6, v7;
	v5 =	vshll.u32 v5, $0x7;
	vm0 =	vgt.s32 v8, $0xFFFFFFFF  }
0xda: {  	vm1 =	vlt.s32 v8, v1;
	v7 =	vshll.u32 v8, $0xA;
	v5 =	vand.u32 $0x380, v5  }
0xdb: {  	vm0 =	vmand vm0, vm1;
	v7 =	vand.u32 $0xFFFFE000, v7;
	v5 =	vor.u32 v5, v6  }
0xdc: {  	v5 =	vor.u32 v7, v5;
	_ =	sdelay $0x1  }
0xdd: {  	s22 =	sshll.u32 s23, $0xA;
	s28 =	simm.s32 $0x0  }
0xde: {  	s23 =	sand.u32 $0x3FFFFC00, s22;
	s29 =	sand.u32 $0x380, s28  }
0xdf: {  	s30 =	sand.u32 $0x70, s28;
	s1 =	sadd.s32 s29, s23  }
0xe0: {  	s1 =	sadd.s32 s30, s1;
	[tilespmem:v5+s15+$0x0] =	vst.idx.msk vm0, v2  }
0xe1: {  	v5 =	vld [tilespmem:s1+$0x0];
	_ =	sdelay $0x2  }
0xe2: {  	v6 =	vmov s28  }
0xe3: {  	v7 =	vor.u32 s28, v3;
	v6 =	vshll.u32 v6, $0x3  }
0xe4: {  	v7 =	vand.u32 $0x7F, v7;
	v6 =	vand.u32 $0x1C00, v6;
	v63 =	vsub.s32 v5, v0  }
0xe5: {  	v6 =	vor.u32 v6, v7;
	v5 =	vshll.u32 v5, $0x7;
	vm0 =	vgt.s32 v63, $0xFFFFFFFF  }
0xe6: {  	v7 =	vshll.u32 v63, $0xA;
	v5 =	vand.u32 $0x380, v5;
	vm1 =	vlt.s32 v63, v1  }
0xe7: {  	v7 =	vand.u32 $0xFFFFE000, v7;
	v5 =	vor.u32 v5, v6;
	vm0 =	vmand vm0, vm1  }
0xe8: {  	v5 =	vor.u32 v7, v5;
	_ =	sdelay $0x1  }
0xe9: {  	s24 =	simm.s32 $0x10  }
0xea: {  	s31 =	sand.u32 $0x380, s24  }
0xeb: {  	s25 =	simm.s32 $0x20;
	s0 =	sand.u32 $0x70, s24;
	s1 =	sadd.s32 s31, s23  }
.LBB2_15:
0xec: {  	p2 =	sne.s32 s25, $0x3F0;
	s0 =	sadd.s32 s0, s1;
	[tilespmem:v5+s15+$0x0] =	vst.idx.msk vm0, v4  }
0xed: {  	v5 =	vld [tilespmem:s0+$0x0];
	_ =	sdelay $0x2  }
0xee: {  	v6 =	vmov s24  }
0xef: {  	v7 =	vor.u32 s24, v3;
	s24 =	smov.u32 s25;
	v6 =	vshll.u32 v6, $0x3  }
0xf0: {  	v7 =	vand.u32 $0x7F, v7;
	v6 =	vand.u32 $0x1C00, v6;
	v8 =	vsub.s32 v5, v0  }
0xf1: {  	v6 =	vor.u32 v6, v7;
	v5 =	vshll.u32 v5, $0x7;
	vm0 =	vgt.s32 v8, $0xFFFFFFFF  }
0xf2: {  	vm1 =	vlt.s32 v8, v1;
	v7 =	vshll.u32 v8, $0xA;
	v5 =	vand.u32 $0x380, v5  }
0xf3: {  	vm0 =	vmand vm0, vm1;
	v7 =	vand.u32 $0xFFFFE000, v7;
	v5 =	vor.u32 v5, v6  }
.Ltmp10:
0xf4: {  	v5 =	vor.u32 v7, v5;
	(pc) =	sbr.rel @p2 .LBB2_15-.Ltmp10, $3  }
0xf5: {  	_ =	sdelay $0x1  }
0xf6: {  	s1 =	sand.u32 $0x380, s25  }
0xf7: {  	s25 =	sadd.s32 $0x10, s25;
	s0 =	sand.u32 $0x70, s24;
	s1 =	sadd.s32 s1, s23  }
0xf8: {  	_ =	sdelay $0x4  }
0xf9: {  	s0 =	sadd.s32 s0, s1;
	[tilespmem:v5+s15+$0x0] =	vst.idx.msk vm0, v4  }
0xfa: {  	v5 =	vld [tilespmem:s0+$0x0];
	_ =	sdelay $0x2  }
0xfb: {  	v6 =	vmov s24  }
0xfc: {  	v7 =	vor.u32 s24, v3;
	v6 =	vshll.u32 v6, $0x3  }
0xfd: {  	v7 =	vand.u32 $0x7F, v7;
	v6 =	vand.u32 $0x1C00, v6;
	v8 =	vsub.s32 v5, v0  }
0xfe: {  	v6 =	vor.u32 v6, v7;
	v5 =	vshll.u32 v5, $0x7;
	vm15 =	vgt.s32 v8, $0xFFFFFFFF  }
0xff: {  	vm1 =	vlt.s32 v8, v1;
	v7 =	vshll.u32 v8, $0xA;
	v5 =	vand.u32 $0x380, v5  }
0x100: {  	vm0 =	vmand vm15, vm1;
	v7 =	vand.u32 $0xFFFFE000, v7;
	v5 =	vor.u32 v5, v6  }
0x101: {  	v5 =	vor.u32 v7, v5  }
.Ltmp11:
0x102: {  	_ = 	snop;
	(pc) =	sbr.rel @p1 .LBB2_19-.Ltmp11, $2  }
0x103: {  	_ =	sdelay $0x2  }
0x104: {  	s21 =	sadd.s32 $0x1, s21;
	[tilespmem:v5+s15+$0x0] =	vst.idx.msk vm0, v4  }
0x105: {  	p2 =	seq.s32 s21, $0x8  }
.Ltmp12:
0x106: {  	_ = 	snop;
	(pc) =	sbr.rel @!p2 .LBB2_8-.Ltmp12, $3  }
0x107: {  	_ =	sdelay $0x1  }
0x108: {  	s0 =	sadd.s32 s22, s11  }
0x109: {  	[hbm4b:s0+s16] =	stream.strided.scatter [tilespmem:s15], [sflag:$0x2], $0x6000, s17, s16, $0x38;
	[tilespmem:$0x14000] =	vst v63  }
0x10a: {  	_ =	swait.ge [sflag:s18], $0x6000  }
.Ltmp13:
0x10b: {  	[sflag:s18] =	ssyncset.done $0x0;
	(pc) =	sbr.rel .LBB2_21-.Ltmp13, $4  }
0x10c: {  	[sflag:s18] =	ssyncadd.s32 $0xFFFFA000  }
0x10d: {  	_ =	swait.ge [sflag:s19], $0x6000  }
0x10e: {  	[sflag:s19] =	ssyncset.done $0x0  }
0x10f: {  	[sflag:s19] =	ssyncadd.s32 $0xFFFFA000  }
.LBB2_22:
0x110: {  	_ =	sfence.sel $0x180000  }
0x111: {  	[bflag:$0x0] =	sbarrier.arrive $0xFFFF  }
0x112: {  	_ =	strace $0x90000047  }
0x113: {  	s0 =	stileid.u32;
	[bflag:$0x2] =	sbarrier.arrive $0xFFFF  }
0x114: {  	p0 =	sne.s32 s0, $0x0;
	s0 =	rddreg [dreg:$0x2]  }
0x115: {  	s0 =	sadd.s32 @!p0 $0x100000, s0  }
0x116: {  	[sflag:s0] =	ssyncadd.tile.s32 @!p0 $0x1;
	_ =	shalt  }
.Lfunc_end2:
_tile_overlayer_lowered:
.L_overlay_start_2:
0x117: {  	(tag) =	ssettag $0x2  }
0x118: {  	s0 =	rddreg [dreg:$0x0];
	s2 =	stileid.u32  }
0x119: {  	s1 =	rddreg [dreg:$0x1];
	p0 =	sne.s32 s2, $0x0  }
0x11a: {  	s3 =	rddreg [dreg:$0x2];
	[bflag:$0x3] =	sbarrier.arrive $0xFFFF;
	s2 =	simm.s32 @!p0 $0x1C04  }
0x11b: {  	[timem:s3], [sflag:s2] =	dma.local @!p0 [hbm:s0], s1  }
0x11c: {  	s0 =	simm.s32 @!p0 $0x4  }
0x11d: {  	_ =	swait.ge @!p0 [sflag:s0], s1  }
0x11e: {  	s1 =	ssub.s32 @!p0 $0x0, s1;
	[sflag:s0] =	ssyncset.done @!p0 $0x0  }
0x11f: {  	[sflag:s0] =	ssyncadd.s32 @!p0 s1  }
0x120: {  	[bflag:$0x3] =	sbarrier.arrive $0xFFFF  }
0x121: {  	_ =	shalt  }

</sc_bundles>
